<compile_context>
chip_gen: v7x
topology: tpu7x:2x2x1
jax: 0.10.2.dev20260603
libtpu: 0.0.44.dev20260713+nightly
codegen_flags: <defaults>
</compile_context>

<pallas_src>
import functools

import jax
import jax.numpy as jnp
import numpy as np
from jax import lax
from jax.experimental import pallas as pl
from jax.experimental.pallas import tpu as pltpu
from jax.experimental.pallas import tpu_sc as plsc

B = 4096
L = 200
VOCAB = 100000
D = 100
H = 50
HP = 64
NUM_CLASSES = 20
PAD = 1

NC, NS = 2, 16
NW = NC * NS
BPW = B // NW
TPW = BPW * L
CHUNK = 128
NCHUNK = TPW // CHUNK


def _fold_body(emb_ref, w1p_ref, out_ref):
    out_ref[...] = jnp.dot(emb_ref[...].astype(jnp.bfloat16),
                           w1p_ref[...].astype(jnp.bfloat16),
                           preferred_element_type=jnp.float32)


def _fold_table(emb, w1p):
    blk = 10000
    return pl.pallas_call(
        _fold_body,
        grid=(VOCAB // blk,),
        in_specs=[
            pl.BlockSpec((blk, D), lambda i: (i, 0)),
            pl.BlockSpec((D, HP), lambda i: (0, 0)),
        ],
        out_specs=pl.BlockSpec((blk, HP), lambda i: (i, 0)),
        out_shape=jax.ShapeDtypeStruct((VOCAB, HP), jnp.float32),
    )(emb, w1p)


def _mask_body(x_ref, m_ref, out_ref):
    out_ref[...] = jnp.where(m_ref[...], x_ref[...], PAD)


def _mask_indices(x, mask):
    rows = B * L // CHUNK
    xr = x.reshape(rows, CHUNK)
    mr = mask.reshape(rows, CHUNK)
    blk = 800
    return pl.pallas_call(
        _mask_body,
        grid=(rows // blk,),
        in_specs=[
            pl.BlockSpec((blk, CHUNK), lambda i: (i, 0)),
            pl.BlockSpec((blk, CHUNK), lambda i: (i, 0)),
        ],
        out_specs=pl.BlockSpec((blk, CHUNK), lambda i: (i, 0)),
        out_shape=jax.ShapeDtypeStruct((rows, CHUNK), jnp.int32),
    )(xr, mr)


NB = 10


def _pool_body(table_hbm, xm_hbm, dest_hbm, zeros_hbm, out_hbm, *scr):
    idx_cs = scr[0:NB]
    dest_cs = scr[NB:2 * NB]
    rows_v = scr[2 * NB]
    acc_sh = scr[2 * NB + 1]
    isem = scr[2 * NB + 2]
    dsem = scr[2 * NB + 3]
    gsems = scr[2 * NB + 4:3 * NB + 4]
    ssem = scr[3 * NB + 4]

    c = lax.axis_index("c")
    s = lax.axis_index("s")
    tile = c * NS + s
    base_b = tile * BPW
    slot0 = s * BPW

    pltpu.sync_copy(zeros_hbm, acc_sh.at[pl.ds(slot0, BPW)])

    @pl.loop(0, NCHUNK, step=NB)
    def _(i0):
        for j in range(NB):
            pltpu.async_copy(xm_hbm.at[tile].at[i0 + j], idx_cs[j], isem)
            pltpu.async_copy(dest_hbm.at[s].at[i0 + j], dest_cs[j], dsem)
        for j in range(NB):
            pltpu.make_async_copy(xm_hbm.at[tile].at[i0 + j], idx_cs[j],
                                  isem).wait()
            pltpu.make_async_copy(dest_hbm.at[s].at[i0 + j], dest_cs[j],
                                  dsem).wait()
        for j in range(NB):
            pltpu.async_copy(table_hbm.at[idx_cs[j]], rows_v.at[j], gsems[j])
        for j in range(NB):
            pltpu.make_async_copy(table_hbm.at[idx_cs[j]], rows_v.at[j],
                                  gsems[j]).wait()
        for j in range(NB):
            pltpu.async_copy(rows_v.at[j], acc_sh.at[dest_cs[j]], ssem,
                             add=True)
            pltpu.make_async_copy(rows_v.at[j], acc_sh.at[dest_cs[j]],
                                  ssem).wait()

    pltpu.sync_copy(acc_sh.at[pl.ds(slot0, BPW)], out_hbm.at[pl.ds(base_b, BPW)])


@functools.partial(jax.jit, static_argnums=())
def _pool(table, xm3, dest, zeros):
    mesh = plsc.VectorSubcoreMesh(core_axis_name="c", subcore_axis_name="s")
    kern = pl.kernel(
        _pool_body,
        out_type=jax.ShapeDtypeStruct((B, HP), jnp.float32),
        mesh=mesh,
        compiler_params=pltpu.CompilerParams(use_tc_tiling_on_sc=False),
        scratch_types=(
            [pltpu.VMEM((CHUNK,), jnp.int32) for _ in range(2 * NB)]
            + [pltpu.VMEM((NB, CHUNK, HP), jnp.float32),
               pltpu.VMEM_SHARED((NS * BPW, HP), jnp.float32)]
            + [pltpu.SemaphoreType.DMA for _ in range(NB + 3)]
        ),
    )
    return kern(table, xm3, dest, zeros)


def _tail_body(acc_ref, len_ref, b1p_ref, w2p_ref, b2_ref, out_ref):
    pooled = acc_ref[...] / len_ref[...]
    h = jnp.maximum(pooled + b1p_ref[...], 0.0)
    out_ref[...] = (jnp.dot(h, w2p_ref[...], preferred_element_type=jnp.float32)
                    + b2_ref[...])


def _tail(acc, len_f, b1p, w2p, b2):
    blk = 512
    return pl.pallas_call(
        _tail_body,
        grid=(B // blk,),
        in_specs=[
            pl.BlockSpec((blk, HP), lambda i: (i, 0)),
            pl.BlockSpec((blk, 1), lambda i: (i, 0)),
            pl.BlockSpec((1, HP), lambda i: (0, 0)),
            pl.BlockSpec((HP, NUM_CLASSES), lambda i: (0, 0)),
            pl.BlockSpec((1, NUM_CLASSES), lambda i: (0, 0)),
        ],
        out_specs=pl.BlockSpec((blk, NUM_CLASSES), lambda i: (i, 0)),
        out_shape=jax.ShapeDtypeStruct((B, NUM_CLASSES), jnp.float32),
    )(acc, len_f, b1p, w2p, b2)


_DEST = (np.repeat(np.arange(BPW, dtype=np.int32), L).reshape(1, NCHUNK, CHUNK)
         + (np.arange(NS, dtype=np.int32) * BPW)[:, None, None])
_ZEROS = np.zeros((BPW, HP), np.float32)


def kernel(x, x_len, mask, emb_weight, W1, b1, W2, b2):
    w1p = jnp.pad(W1.T, ((0, 0), (0, HP - H)))
    table = _fold_table(emb_weight, w1p)
    xm = _mask_indices(x, mask).reshape(NW, NCHUNK, CHUNK)
    acc = _pool(table, xm, jnp.asarray(_DEST), jnp.asarray(_ZEROS))
    len_f = x_len.astype(jnp.float32).reshape(B, 1)
    b1p = jnp.pad(b1, (0, HP - H)).reshape(1, HP)
    w2p = jnp.pad(W2.T, ((0, HP - H), (0, 0)))
    b2r = b2.reshape(1, NUM_CLASSES)
    return _tail(acc, len_f, b1p, w2p, b2r)

# --- scband reference (transcript-rebuilt; emitter-appended) ---
"""Pipeline reference for scband-swem-avg-82360292868104 (READ-ONLY COPY).

The authoritative reference and input builder live on the scoring server;
editing this copy changes nothing except your own understanding.
"""

import jax, jax.numpy as jnp
import numpy as np

B = 4096
L = 200
VOCAB = 100000
EMBEDDING_DIM = 100
NUM_CLASSES = 20
PAD = 1


def setup_inputs(seed: int = 0) -> dict:
    key = jax.random.key(seed)
    k0, k1, k2, k3, k4, k5 = jax.random.split(key, 6)
    x = jax.random.randint(k0, (B, L), 0, VOCAB, dtype=jnp.int32)
    x_len = jnp.ones((B,), dtype=jnp.int32)
    mask = jnp.ones((B, L), dtype=bool)
    emb_weight = jax.random.normal(k1, (VOCAB, EMBEDDING_DIM), dtype=jnp.float32) * 0.02
    emb_weight = emb_weight.at[PAD].set(0.0)  # padding_idx row zeroed
    H = EMBEDDING_DIM // 2
    W1 = jax.random.normal(k2, (H, EMBEDDING_DIM), dtype=jnp.float32) * (1.0 / np.sqrt(EMBEDDING_DIM))
    b1 = jax.random.normal(k3, (H,), dtype=jnp.float32) * 0.01
    W2 = jax.random.normal(k4, (NUM_CLASSES, H), dtype=jnp.float32) * (1.0 / np.sqrt(H))
    b2 = jax.random.normal(k5, (NUM_CLASSES,), dtype=jnp.float32) * 0.01
    return {"x": x, "x_len": x_len, "mask": mask, "emb_weight": emb_weight,
            "W1": W1, "b1": b1, "W2": W2, "b2": b2}


def reference(x, x_len, mask, emb_weight, W1, b1, W2, b2):
    # embedding lookup (gather)
    xx = jnp.take(emb_weight, x, axis=0)            # [B, L, D]
    # masked_fill(mask ^ 1, 0)  -> zero where mask is False
    xx = jnp.where(mask[..., None], xx, 0.0)
    # sum over sequence dim
    xx = xx.sum(-2)                                  # [B, D]
    # average by length
    xx = xx / x_len[:, None].astype(jnp.float32)
    # final MLP: Linear -> ReLU -> Linear
    h = jax.nn.relu(xx @ W1.T + b1)
    out = h @ W2.T + b2                              # [B, NUM_CLASSES]
    return out

if __name__ == "__main__":
    import jax
    _d = setup_inputs()
    print(jax.jit(kernel)(*tuple(_d.values())))

</pallas_src>

<mosaic_0001>
#map = affine_map<(d0, d1) -> (0, 0)>
#map1 = affine_map<(d0, d1) -> (0, 0, 0)>
module attributes {stable_mosaic.version = 14 : i64} {
  func.func @_pool_body(%arg0: i32, %arg1: i32, %arg2: memref<100000x64xf32, #tpu.memory_space<hbm>>, %arg3: memref<32x200x128xi32, #tpu.memory_space<hbm>>, %arg4: memref<16x200x128xi32, #tpu.memory_space<hbm>>, %arg5: memref<128x64xf32, #tpu.memory_space<hbm>>, %arg6: memref<4096x64xf32, #tpu.memory_space<hbm>>, %arg7: memref<128xi32, #tpu.memory_space<vmem>>, %arg8: memref<128xi32, #tpu.memory_space<vmem>>, %arg9: memref<128xi32, #tpu.memory_space<vmem>>, %arg10: memref<128xi32, #tpu.memory_space<vmem>>, %arg11: memref<128xi32, #tpu.memory_space<vmem>>, %arg12: memref<128xi32, #tpu.memory_space<vmem>>, %arg13: memref<128xi32, #tpu.memory_space<vmem>>, %arg14: memref<128xi32, #tpu.memory_space<vmem>>, %arg15: memref<128xi32, #tpu.memory_space<vmem>>, %arg16: memref<128xi32, #tpu.memory_space<vmem>>, %arg17: memref<128xi32, #tpu.memory_space<vmem>>, %arg18: memref<128xi32, #tpu.memory_space<vmem>>, %arg19: memref<128xi32, #tpu.memory_space<vmem>>, %arg20: memref<128xi32, #tpu.memory_space<vmem>>, %arg21: memref<128xi32, #tpu.memory_space<vmem>>, %arg22: memref<128xi32, #tpu.memory_space<vmem>>, %arg23: memref<128xi32, #tpu.memory_space<vmem>>, %arg24: memref<128xi32, #tpu.memory_space<vmem>>, %arg25: memref<128xi32, #tpu.memory_space<vmem>>, %arg26: memref<128xi32, #tpu.memory_space<vmem>>, %arg27: memref<10x128x64xf32, #tpu.memory_space<vmem>>, %arg28: memref<2048x64xf32, #tpu.memory_space<vmem_shared>>, %arg29: memref<!tpu.dma_semaphore, #tpu.memory_space<semaphore_mem>>, %arg30: memref<!tpu.dma_semaphore, #tpu.memory_space<semaphore_mem>>, %arg31: memref<!tpu.dma_semaphore, #tpu.memory_space<semaphore_mem>>, %arg32: memref<!tpu.dma_semaphore, #tpu.memory_space<semaphore_mem>>, %arg33: memref<!tpu.dma_semaphore, #tpu.memory_space<semaphore_mem>>, %arg34: memref<!tpu.dma_semaphore, #tpu.memory_space<semaphore_mem>>, %arg35: memref<!tpu.dma_semaphore, #tpu.memory_space<semaphore_mem>>, %arg36: memref<!tpu.dma_semaphore, #tpu.memory_space<semaphore_mem>>, %arg37: memref<!tpu.dma_semaphore, #tpu.memory_space<semaphore_mem>>, %arg38: memref<!tpu.dma_semaphore, #tpu.memory_space<semaphore_mem>>, %arg39: memref<!tpu.dma_semaphore, #tpu.memory_space<semaphore_mem>>, %arg40: memref<!tpu.dma_semaphore, #tpu.memory_space<semaphore_mem>>, %arg41: memref<!tpu.dma_semaphore, #tpu.memory_space<semaphore_mem>>) attributes {dimension_semantics = [#tpu.dimension_semantics<core_parallel>, #tpu.dimension_semantics<subcore_parallel>], iteration_bounds = array<i64: 2, 16>, scalar_prefetch = 0 : i64, scratch_operands = 35 : i64, tpu.core_type = #tpu.core_type<sc_vector_subcore>, window_params = [{transform_indices = #map}, {transform_indices = #map1}, {transform_indices = #map1}, {transform_indices = #map}, {transform_indices = #map}]} {
    %mul3A = arith.constant 16 : i32
    %mul3A_0 = arith.muli %arg0, %mul3A : i32
    %add3A = arith.addi %mul3A_0, %arg1 : i32
    %mul3A_1 = arith.constant 128 : i32
    %mul3A_2 = arith.muli %add3A, %mul3A_1 : i32
    %mul3A_3 = arith.constant 128 : i32
    %mul3A_4 = arith.muli %arg1, %mul3A_3 : i32
    "tpu.region"() ({
      %run_scoped3A = tpu.sem_alloc : memref<!tpu.dma_semaphore, #tpu.memory_space<semaphore_mem>>
      %dma_start3A = arith.constant 0 : i32
      %dma_start3A_9 = tpu.memref_slice %arg28[%mul3A_4, %dma_start3A] : memref<2048x64xf32, #tpu.memory_space<vmem_shared>> -> memref<128x64xf32, #tpu.memory_space<vmem_shared>>
      tpu.enqueue_dma source(%arg5 : memref<128x64xf32, #tpu.memory_space<hbm>>) target(%dma_start3A_9 : memref<128x64xf32, #tpu.memory_space<vmem_shared>>) target_semaphore(%run_scoped3A : memref<!tpu.dma_semaphore, #tpu.memory_space<semaphore_mem>>)
      %dma_wait3A = arith.constant 0 : i32
      %dma_wait3A_10 = tpu.memref_slice %arg28[%mul3A_4, %dma_wait3A] : memref<2048x64xf32, #tpu.memory_space<vmem_shared>> -> memref<128x64xf32, #tpu.memory_space<vmem_shared>>
      tpu.wait_dma2 semaphore(%run_scoped3A : memref<!tpu.dma_semaphore, #tpu.memory_space<semaphore_mem>>) src(%arg5 : memref<128x64xf32, #tpu.memory_space<hbm>>) dst(%dma_wait3A_10 : memref<128x64xf32, #tpu.memory_space<vmem_shared>>)
      tpu.yield
    }) : () -> ()
    %scan3A = arith.constant 0 : i32
    %scan3A_5 = arith.constant 20 : i32
    %scan3A_6 = arith.addi %scan3A, %scan3A_5 : i32
    %scan3A_7 = arith.constant 1 : i32
    scf.for %scan3A_9 = %scan3A to %scan3A_6 step %scan3A_7  : i32 {
      %mul3A_10 = arith.constant 10 : i32
      %mul3A_11 = arith.muli %scan3A_9, %mul3A_10 : i32
      %add3A_12 = arith.constant 0 : i32
      %add3A_13 = arith.addi %add3A_12, %mul3A_11 : i32
      %add3A_14 = arith.constant 0 : i32
      %add3A_15 = arith.addi %add3A_13, %add3A_14 : i32
      %dma_start3A = arith.constant 0 : i32
      %dma_start3A_16 = arith.constant 0 : i32
      %dma_start3A_17 = tpu.memref_slice %arg3[%add3A, %dma_start3A, %dma_start3A_16] : memref<32x200x128xi32, #tpu.memory_space<hbm>> -> memref<1x200x128xi32, #tpu.memory_space<hbm>>
      %dma_start3A_18 = tpu.memref_squeeze %dma_start3A_17 : memref<1x200x128xi32, #tpu.memory_space<hbm>> -> memref<200x128xi32, #tpu.memory_space<hbm>>
      %dma_start3A_19 = arith.constant 0 : i32
      %dma_start3A_20 = tpu.memref_slice %dma_start3A_18[%add3A_15, %dma_start3A_19] : memref<200x128xi32, #tpu.memory_space<hbm>> -> memref<1x128xi32, #tpu.memory_space<hbm>>
      %dma_start3A_21 = tpu.memref_squeeze %dma_start3A_20 : memref<1x128xi32, #tpu.memory_space<hbm>> -> memref<128xi32, #tpu.memory_space<hbm>>
      %dma_start3A_22 = arith.constant 0 : i32
      %dma_start3A_23 = arith.constant 0 : i32
      %dma_start3A_24 = tpu.memref_slice %arg3[%add3A, %dma_start3A_22, %dma_start3A_23] : memref<32x200x128xi32, #tpu.memory_space<hbm>> -> memref<1x200x128xi32, #tpu.memory_space<hbm>>
      %dma_start3A_25 = tpu.memref_squeeze %dma_start3A_24 : memref<1x200x128xi32, #tpu.memory_space<hbm>> -> memref<200x128xi32, #tpu.memory_space<hbm>>
      %dma_start3A_26 = arith.constant 0 : i32
      %dma_start3A_27 = tpu.memref_slice %dma_start3A_25[%add3A_15, %dma_start3A_26] : memref<200x128xi32, #tpu.memory_space<hbm>> -> memref<1x128xi32, #tpu.memory_space<hbm>>
      %dma_start3A_28 = tpu.memref_squeeze %dma_start3A_27 : memref<1x128xi32, #tpu.memory_space<hbm>> -> memref<128xi32, #tpu.memory_space<hbm>>
      tpu.enqueue_dma source(%dma_start3A_28 : memref<128xi32, #tpu.memory_space<hbm>>) target(%arg7 : memref<128xi32, #tpu.memory_space<vmem>>) target_semaphore(%arg29 : memref<!tpu.dma_semaphore, #tpu.memory_space<semaphore_mem>>)
      %add3A_29 = arith.constant 0 : i32
      %add3A_30 = arith.addi %add3A_13, %add3A_29 : i32
      %dma_start3A_31 = arith.constant 0 : i32
      %dma_start3A_32 = arith.constant 0 : i32
      %dma_start3A_33 = tpu.memref_slice %arg4[%arg1, %dma_start3A_31, %dma_start3A_32] : memref<16x200x128xi32, #tpu.memory_space<hbm>> -> memref<1x200x128xi32, #tpu.memory_space<hbm>>
      %dma_start3A_34 = tpu.memref_squeeze %dma_start3A_33 : memref<1x200x128xi32, #tpu.memory_space<hbm>> -> memref<200x128xi32, #tpu.memory_space<hbm>>
      %dma_start3A_35 = arith.constant 0 : i32
      %dma_start3A_36 = tpu.memref_slice %dma_start3A_34[%add3A_30, %dma_start3A_35] : memref<200x128xi32, #tpu.memory_space<hbm>> -> memref<1x128xi32, #tpu.memory_space<hbm>>
      %dma_start3A_37 = tpu.memref_squeeze %dma_start3A_36 : memref<1x128xi32, #tpu.memory_space<hbm>> -> memref<128xi32, #tpu.memory_space<hbm>>
      %dma_start3A_38 = arith.constant 0 : i32
      %dma_start3A_39 = arith.constant 0 : i32
      %dma_start3A_40 = tpu.memref_slice %arg4[%arg1, %dma_start3A_38, %dma_start3A_39] : memref<16x200x128xi32, #tpu.memory_space<hbm>> -> memref<1x200x128xi32, #tpu.memory_space<hbm>>
      %dma_start3A_41 = tpu.memref_squeeze %dma_start3A_40 : memref<1x200x128xi32, #tpu.memory_space<hbm>> -> memref<200x128xi32, #tpu.memory_space<hbm>>
      %dma_start3A_42 = arith.constant 0 : i32
      %dma_start3A_43 = tpu.memref_slice %dma_start3A_41[%add3A_30, %dma_start3A_42] : memref<200x128xi32, #tpu.memory_space<hbm>> -> memref<1x128xi32, #tpu.memory_space<hbm>>
      %dma_start3A_44 = tpu.memref_squeeze %dma_start3A_43 : memref<1x128xi32, #tpu.memory_space<hbm>> -> memref<128xi32, #tpu.memory_space<hbm>>
      tpu.enqueue_dma source(%dma_start3A_44 : memref<128xi32, #tpu.memory_space<hbm>>) target(%arg17 : memref<128xi32, #tpu.memory_space<vmem>>) target_semaphore(%arg30 : memref<!tpu.dma_semaphore, #tpu.memory_space<semaphore_mem>>)
      %add3A_45 = arith.constant 1 : i32
      %add3A_46 = arith.addi %add3A_13, %add3A_45 : i32
      %dma_start3A_47 = arith.constant 0 : i32
      %dma_start3A_48 = arith.constant 0 : i32
      %dma_start3A_49 = tpu.memref_slice %arg3[%add3A, %dma_start3A_47, %dma_start3A_48] : memref<32x200x128xi32, #tpu.memory_space<hbm>> -> memref<1x200x128xi32, #tpu.memory_space<hbm>>
      %dma_start3A_50 = tpu.memref_squeeze %dma_start3A_49 : memref<1x200x128xi32, #tpu.memory_space<hbm>> -> memref<200x128xi32, #tpu.memory_space<hbm>>
      %dma_start3A_51 = arith.constant 0 : i32
      %dma_start3A_52 = tpu.memref_slice %dma_start3A_50[%add3A_46, %dma_start3A_51] : memref<200x128xi32, #tpu.memory_space<hbm>> -> memref<1x128xi32, #tpu.memory_space<hbm>>
      %dma_start3A_53 = tpu.memref_squeeze %dma_start3A_52 : memref<1x128xi32, #tpu.memory_space<hbm>> -> memref<128xi32, #tpu.memory_space<hbm>>
      %dma_start3A_54 = arith.constant 0 : i32
      %dma_start3A_55 = arith.constant 0 : i32
      %dma_start3A_56 = tpu.memref_slice %arg3[%add3A, %dma_start3A_54, %dma_start3A_55] : memref<32x200x128xi32, #tpu.memory_space<hbm>> -> memref<1x200x128xi32, #tpu.memory_space<hbm>>
      %dma_start3A_57 = tpu.memref_squeeze %dma_start3A_56 : memref<1x200x128xi32, #tpu.memory_space<hbm>> -> memref<200x128xi32, #tpu.memory_space<hbm>>
      %dma_start3A_58 = arith.constant 0 : i32
      %dma_start3A_59 = tpu.memref_slice %dma_start3A_57[%add3A_46, %dma_start3A_58] : memref<200x128xi32, #tpu.memory_space<hbm>> -> memref<1x128xi32, #tpu.memory_space<hbm>>
      %dma_start3A_60 = tpu.memref_squeeze %dma_start3A_59 : memref<1x128xi32, #tpu.memory_space<hbm>> -> memref<128xi32, #tpu.memory_space<hbm>>
      tpu.enqueue_dma source(%dma_start3A_60 : memref<128xi32, #tpu.memory_space<hbm>>) target(%arg8 : memref<128xi32, #tpu.memory_space<vmem>>) target_semaphore(%arg29 : memref<!tpu.dma_semaphore, #tpu.memory_space<semaphore_mem>>)
      %add3A_61 = arith.constant 1 : i32
      %add3A_62 = arith.addi %add3A_13, %add3A_61 : i32
      %dma_start3A_63 = arith.constant 0 : i32
      %dma_start3A_64 = arith.constant 0 : i32
      %dma_start3A_65 = tpu.memref_slice %arg4[%arg1, %dma_start3A_63, %dma_start3A_64] : memref<16x200x128xi32, #tpu.memory_space<hbm>> -> memref<1x200x128xi32, #tpu.memory_space<hbm>>
      %dma_start3A_66 = tpu.memref_squeeze %dma_start3A_65 : memref<1x200x128xi32, #tpu.memory_space<hbm>> -> memref<200x128xi32, #tpu.memory_space<hbm>>
      %dma_start3A_67 = arith.constant 0 : i32
      %dma_start3A_68 = tpu.memref_slice %dma_start3A_66[%add3A_62, %dma_start3A_67] : memref<200x128xi32, #tpu.memory_space<hbm>> -> memref<1x128xi32, #tpu.memory_space<hbm>>
      %dma_start3A_69 = tpu.memref_squeeze %dma_start3A_68 : memref<1x128xi32, #tpu.memory_space<hbm>> -> memref<128xi32, #tpu.memory_space<hbm>>
      %dma_start3A_70 = arith.constant 0 : i32
      %dma_start3A_71 = arith.constant 0 : i32
      %dma_start3A_72 = tpu.memref_slice %arg4[%arg1, %dma_start3A_70, %dma_start3A_71] : memref<16x200x128xi32, #tpu.memory_space<hbm>> -> memref<1x200x128xi32, #tpu.memory_space<hbm>>
      %dma_start3A_73 = tpu.memref_squeeze %dma_start3A_72 : memref<1x200x128xi32, #tpu.memory_space<hbm>> -> memref<200x128xi32, #tpu.memory_space<hbm>>
      %dma_start3A_74 = arith.constant 0 : i32
      %dma_start3A_75 = tpu.memref_slice %dma_start3A_73[%add3A_62, %dma_start3A_74] : memref<200x128xi32, #tpu.memory_space<hbm>> -> memref<1x128xi32, #tpu.memory_space<hbm>>
      %dma_start3A_76 = tpu.memref_squeeze %dma_start3A_75 : memref<1x128xi32, #tpu.memory_space<hbm>> -> memref<128xi32, #tpu.memory_space<hbm>>
      tpu.enqueue_dma source(%dma_start3A_76 : memref<128xi32, #tpu.memory_space<hbm>>) target(%arg18 : memref<128xi32, #tpu.memory_space<vmem>>) target_semaphore(%arg30 : memref<!tpu.dma_semaphore, #tpu.memory_space<semaphore_mem>>)
      %add3A_77 = arith.constant 2 : i32
      %add3A_78 = arith.addi %add3A_13, %add3A_77 : i32
      %dma_start3A_79 = arith.constant 0 : i32
      %dma_start3A_80 = arith.constant 0 : i32
      %dma_start3A_81 = tpu.memref_slice %arg3[%add3A, %dma_start3A_79, %dma_start3A_80] : memref<32x200x128xi32, #tpu.memory_space<hbm>> -> memref<1x200x128xi32, #tpu.memory_space<hbm>>
      %dma_start3A_82 = tpu.memref_squeeze %dma_start3A_81 : memref<1x200x128xi32, #tpu.memory_space<hbm>> -> memref<200x128xi32, #tpu.memory_space<hbm>>
      %dma_start3A_83 = arith.constant 0 : i32
      %dma_start3A_84 = tpu.memref_slice %dma_start3A_82[%add3A_78, %dma_start3A_83] : memref<200x128xi32, #tpu.memory_space<hbm>> -> memref<1x128xi32, #tpu.memory_space<hbm>>
      %dma_start3A_85 = tpu.memref_squeeze %dma_start3A_84 : memref<1x128xi32, #tpu.memory_space<hbm>> -> memref<128xi32, #tpu.memory_space<hbm>>
      %dma_start3A_86 = arith.constant 0 : i32
      %dma_start3A_87 = arith.constant 0 : i32
      %dma_start3A_88 = tpu.memref_slice %arg3[%add3A, %dma_start3A_86, %dma_start3A_87] : memref<32x200x128xi32, #tpu.memory_space<hbm>> -> memref<1x200x128xi32, #tpu.memory_space<hbm>>
      %dma_start3A_89 = tpu.memref_squeeze %dma_start3A_88 : memref<1x200x128xi32, #tpu.memory_space<hbm>> -> memref<200x128xi32, #tpu.memory_space<hbm>>
      %dma_start3A_90 = arith.constant 0 : i32
      %dma_start3A_91 = tpu.memref_slice %dma_start3A_89[%add3A_78, %dma_start3A_90] : memref<200x128xi32, #tpu.memory_space<hbm>> -> memref<1x128xi32, #tpu.memory_space<hbm>>
      %dma_start3A_92 = tpu.memref_squeeze %dma_start3A_91 : memref<1x128xi32, #tpu.memory_space<hbm>> -> memref<128xi32, #tpu.memory_space<hbm>>
      tpu.enqueue_dma source(%dma_start3A_92 : memref<128xi32, #tpu.memory_space<hbm>>) target(%arg9 : memref<128xi32, #tpu.memory_space<vmem>>) target_semaphore(%arg29 : memref<!tpu.dma_semaphore, #tpu.memory_space<semaphore_mem>>)
      %add3A_93 = arith.constant 2 : i32
      %add3A_94 = arith.addi %add3A_13, %add3A_93 : i32
      %dma_start3A_95 = arith.constant 0 : i32
      %dma_start3A_96 = arith.constant 0 : i32
      %dma_start3A_97 = tpu.memref_slice %arg4[%arg1, %dma_start3A_95, %dma_start3A_96] : memref<16x200x128xi32, #tpu.memory_space<hbm>> -> memref<1x200x128xi32, #tpu.memory_space<hbm>>
      %dma_start3A_98 = tpu.memref_squeeze %dma_start3A_97 : memref<1x200x128xi32, #tpu.memory_space<hbm>> -> memref<200x128xi32, #tpu.memory_space<hbm>>
      %dma_start3A_99 = arith.constant 0 : i32
      %dma_start3A_100 = tpu.memref_slice %dma_start3A_98[%add3A_94, %dma_start3A_99] : memref<200x128xi32, #tpu.memory_space<hbm>> -> memref<1x128xi32, #tpu.memory_space<hbm>>
      %dma_start3A_101 = tpu.memref_squeeze %dma_start3A_100 : memref<1x128xi32, #tpu.memory_space<hbm>> -> memref<128xi32, #tpu.memory_space<hbm>>
      %dma_start3A_102 = arith.constant 0 : i32
      %dma_start3A_103 = arith.constant 0 : i32
      %dma_start3A_104 = tpu.memref_slice %arg4[%arg1, %dma_start3A_102, %dma_start3A_103] : memref<16x200x128xi32, #tpu.memory_space<hbm>> -> memref<1x200x128xi32, #tpu.memory_space<hbm>>
      %dma_start3A_105 = tpu.memref_squeeze %dma_start3A_104 : memref<1x200x128xi32, #tpu.memory_space<hbm>> -> memref<200x128xi32, #tpu.memory_space<hbm>>
      %dma_start3A_106 = arith.constant 0 : i32
      %dma_start3A_107 = tpu.memref_slice %dma_start3A_105[%add3A_94, %dma_start3A_106] : memref<200x128xi32, #tpu.memory_space<hbm>> -> memref<1x128xi32, #tpu.memory_space<hbm>>
      %dma_start3A_108 = tpu.memref_squeeze %dma_start3A_107 : memref<1x128xi32, #tpu.memory_space<hbm>> -> memref<128xi32, #tpu.memory_space<hbm>>
      tpu.enqueue_dma source(%dma_start3A_108 : memref<128xi32, #tpu.memory_space<hbm>>) target(%arg19 : memref<128xi32, #tpu.memory_space<vmem>>) target_semaphore(%arg30 : memref<!tpu.dma_semaphore, #tpu.memory_space<semaphore_mem>>)
      %add3A_109 = arith.constant 3 : i32
      %add3A_110 = arith.addi %add3A_13, %add3A_109 : i32
      %dma_start3A_111 = arith.constant 0 : i32
      %dma_start3A_112 = arith.constant 0 : i32
      %dma_start3A_113 = tpu.memref_slice %arg3[%add3A, %dma_start3A_111, %dma_start3A_112] : memref<32x200x128xi32, #tpu.memory_space<hbm>> -> memref<1x200x128xi32, #tpu.memory_space<hbm>>
      %dma_start3A_114 = tpu.memref_squeeze %dma_start3A_113 : memref<1x200x128xi32, #tpu.memory_space<hbm>> -> memref<200x128xi32, #tpu.memory_space<hbm>>
      %dma_start3A_115 = arith.constant 0 : i32
      %dma_start3A_116 = tpu.memref_slice %dma_start3A_114[%add3A_110, %dma_start3A_115] : memref<200x128xi32, #tpu.memory_space<hbm>> -> memref<1x128xi32, #tpu.memory_space<hbm>>
      %dma_start3A_117 = tpu.memref_squeeze %dma_start3A_116 : memref<1x128xi32, #tpu.memory_space<hbm>> -> memref<128xi32, #tpu.memory_space<hbm>>
      %dma_start3A_118 = arith.constant 0 : i32
      %dma_start3A_119 = arith.constant 0 : i32
      %dma_start3A_120 = tpu.memref_slice %arg3[%add3A, %dma_start3A_118, %dma_start3A_119] : memref<32x200x128xi32, #tpu.memory_space<hbm>> -> memref<1x200x128xi32, #tpu.memory_space<hbm>>
      %dma_start3A_121 = tpu.memref_squeeze %dma_start3A_120 : memref<1x200x128xi32, #tpu.memory_space<hbm>> -> memref<200x128xi32, #tpu.memory_space<hbm>>
      %dma_start3A_122 = arith.constant 0 : i32
      %dma_start3A_123 = tpu.memref_slice %dma_start3A_121[%add3A_110, %dma_start3A_122] : memref<200x128xi32, #tpu.memory_space<hbm>> -> memref<1x128xi32, #tpu.memory_space<hbm>>
      %dma_start3A_124 = tpu.memref_squeeze %dma_start3A_123 : memref<1x128xi32, #tpu.memory_space<hbm>> -> memref<128xi32, #tpu.memory_space<hbm>>
      tpu.enqueue_dma source(%dma_start3A_124 : memref<128xi32, #tpu.memory_space<hbm>>) target(%arg10 : memref<128xi32, #tpu.memory_space<vmem>>) target_semaphore(%arg29 : memref<!tpu.dma_semaphore, #tpu.memory_space<semaphore_mem>>)
      %add3A_125 = arith.constant 3 : i32
      %add3A_126 = arith.addi %add3A_13, %add3A_125 : i32
      %dma_start3A_127 = arith.constant 0 : i32
      %dma_start3A_128 = arith.constant 0 : i32
      %dma_start3A_129 = tpu.memref_slice %arg4[%arg1, %dma_start3A_127, %dma_start3A_128] : memref<16x200x128xi32, #tpu.memory_space<hbm>> -> memref<1x200x128xi32, #tpu.memory_space<hbm>>
      %dma_start3A_130 = tpu.memref_squeeze %dma_start3A_129 : memref<1x200x128xi32, #tpu.memory_space<hbm>> -> memref<200x128xi32, #tpu.memory_space<hbm>>
      %dma_start3A_131 = arith.constant 0 : i32
      %dma_start3A_132 = tpu.memref_slice %dma_start3A_130[%add3A_126, %dma_start3A_131] : memref<200x128xi32, #tpu.memory_space<hbm>> -> memref<1x128xi32, #tpu.memory_space<hbm>>
      %dma_start3A_133 = tpu.memref_squeeze %dma_start3A_132 : memref<1x128xi32, #tpu.memory_space<hbm>> -> memref<128xi32, #tpu.memory_space<hbm>>
      %dma_start3A_134 = arith.constant 0 : i32
      %dma_start3A_135 = arith.constant 0 : i32
      %dma_start3A_136 = tpu.memref_slice %arg4[%arg1, %dma_start3A_134, %dma_start3A_135] : memref<16x200x128xi32, #tpu.memory_space<hbm>> -> memref<1x200x128xi32, #tpu.memory_space<hbm>>
      %dma_start3A_137 = tpu.memref_squeeze %dma_start3A_136 : memref<1x200x128xi32, #tpu.memory_space<hbm>> -> memref<200x128xi32, #tpu.memory_space<hbm>>
      %dma_start3A_138 = arith.constant 0 : i32
      %dma_start3A_139 = tpu.memref_slice %dma_start3A_137[%add3A_126, %dma_start3A_138] : memref<200x128xi32, #tpu.memory_space<hbm>> -> memref<1x128xi32, #tpu.memory_space<hbm>>
      %dma_start3A_140 = tpu.memref_squeeze %dma_start3A_139 : memref<1x128xi32, #tpu.memory_space<hbm>> -> memref<128xi32, #tpu.memory_space<hbm>>
      tpu.enqueue_dma source(%dma_start3A_140 : memref<128xi32, #tpu.memory_space<hbm>>) target(%arg20 : memref<128xi32, #tpu.memory_space<vmem>>) target_semaphore(%arg30 : memref<!tpu.dma_semaphore, #tpu.memory_space<semaphore_mem>>)
      %add3A_141 = arith.constant 4 : i32
      %add3A_142 = arith.addi %add3A_13, %add3A_141 : i32
      %dma_start3A_143 = arith.constant 0 : i32
      %dma_start3A_144 = arith.constant 0 : i32
      %dma_start3A_145 = tpu.memref_slice %arg3[%add3A, %dma_start3A_143, %dma_start3A_144] : memref<32x200x128xi32, #tpu.memory_space<hbm>> -> memref<1x200x128xi32, #tpu.memory_space<hbm>>
      %dma_start3A_146 = tpu.memref_squeeze %dma_start3A_145 : memref<1x200x128xi32, #tpu.memory_space<hbm>> -> memref<200x128xi32, #tpu.memory_space<hbm>>
      %dma_start3A_147 = arith.constant 0 : i32
      %dma_start3A_148 = tpu.memref_slice %dma_start3A_146[%add3A_142, %dma_start3A_147] : memref<200x128xi32, #tpu.memory_space<hbm>> -> memref<1x128xi32, #tpu.memory_space<hbm>>
      %dma_start3A_149 = tpu.memref_squeeze %dma_start3A_148 : memref<1x128xi32, #tpu.memory_space<hbm>> -> memref<128xi32, #tpu.memory_space<hbm>>
      %dma_start3A_150 = arith.constant 0 : i32
      %dma_start3A_151 = arith.constant 0 : i32
      %dma_start3A_152 = tpu.memref_slice %arg3[%add3A, %dma_start3A_150, %dma_start3A_151] : memref<32x200x128xi32, #tpu.memory_space<hbm>> -> memref<1x200x128xi32, #tpu.memory_space<hbm>>
      %dma_start3A_153 = tpu.memref_squeeze %dma_start3A_152 : memref<1x200x128xi32, #tpu.memory_space<hbm>> -> memref<200x128xi32, #tpu.memory_space<hbm>>
      %dma_start3A_154 = arith.constant 0 : i32
      %dma_start3A_155 = tpu.memref_slice %dma_start3A_153[%add3A_142, %dma_start3A_154] : memref<200x128xi32, #tpu.memory_space<hbm>> -> memref<1x128xi32, #tpu.memory_space<hbm>>
      %dma_start3A_156 = tpu.memref_squeeze %dma_start3A_155 : memref<1x128xi32, #tpu.memory_space<hbm>> -> memref<128xi32, #tpu.memory_space<hbm>>
      tpu.enqueue_dma source(%dma_start3A_156 : memref<128xi32, #tpu.memory_space<hbm>>) target(%arg11 : memref<128xi32, #tpu.memory_space<vmem>>) target_semaphore(%arg29 : memref<!tpu.dma_semaphore, #tpu.memory_space<semaphore_mem>>)
      %add3A_157 = arith.constant 4 : i32
      %add3A_158 = arith.addi %add3A_13, %add3A_157 : i32
      %dma_start3A_159 = arith.constant 0 : i32
      %dma_start3A_160 = arith.constant 0 : i32
      %dma_start3A_161 = tpu.memref_slice %arg4[%arg1, %dma_start3A_159, %dma_start3A_160] : memref<16x200x128xi32, #tpu.memory_space<hbm>> -> memref<1x200x128xi32, #tpu.memory_space<hbm>>
      %dma_start3A_162 = tpu.memref_squeeze %dma_start3A_161 : memref<1x200x128xi32, #tpu.memory_space<hbm>> -> memref<200x128xi32, #tpu.memory_space<hbm>>
      %dma_start3A_163 = arith.constant 0 : i32
      %dma_start3A_164 = tpu.memref_slice %dma_start3A_162[%add3A_158, %dma_start3A_163] : memref<200x128xi32, #tpu.memory_space<hbm>> -> memref<1x128xi32, #tpu.memory_space<hbm>>
      %dma_start3A_165 = tpu.memref_squeeze %dma_start3A_164 : memref<1x128xi32, #tpu.memory_space<hbm>> -> memref<128xi32, #tpu.memory_space<hbm>>
      %dma_start3A_166 = arith.constant 0 : i32
      %dma_start3A_167 = arith.constant 0 : i32
      %dma_start3A_168 = tpu.memref_slice %arg4[%arg1, %dma_start3A_166, %dma_start3A_167] : memref<16x200x128xi32, #tpu.memory_space<hbm>> -> memref<1x200x128xi32, #tpu.memory_space<hbm>>
      %dma_start3A_169 = tpu.memref_squeeze %dma_start3A_168 : memref<1x200x128xi32, #tpu.memory_space<hbm>> -> memref<200x128xi32, #tpu.memory_space<hbm>>
      %dma_start3A_170 = arith.constant 0 : i32
      %dma_start3A_171 = tpu.memref_slice %dma_start3A_169[%add3A_158, %dma_start3A_170] : memref<200x128xi32, #tpu.memory_space<hbm>> -> memref<1x128xi32, #tpu.memory_space<hbm>>
      %dma_start3A_172 = tpu.memref_squeeze %dma_start3A_171 : memref<1x128xi32, #tpu.memory_space<hbm>> -> memref<128xi32, #tpu.memory_space<hbm>>
      tpu.enqueue_dma source(%dma_start3A_172 : memref<128xi32, #tpu.memory_space<hbm>>) target(%arg21 : memref<128xi32, #tpu.memory_space<vmem>>) target_semaphore(%arg30 : memref<!tpu.dma_semaphore, #tpu.memory_space<semaphore_mem>>)
      %add3A_173 = arith.constant 5 : i32
      %add3A_174 = arith.addi %add3A_13, %add3A_173 : i32
      %dma_start3A_175 = arith.constant 0 : i32
      %dma_start3A_176 = arith.constant 0 : i32
      %dma_start3A_177 = tpu.memref_slice %arg3[%add3A, %dma_start3A_175, %dma_start3A_176] : memref<32x200x128xi32, #tpu.memory_space<hbm>> -> memref<1x200x128xi32, #tpu.memory_space<hbm>>
      %dma_start3A_178 = tpu.memref_squeeze %dma_start3A_177 : memref<1x200x128xi32, #tpu.memory_space<hbm>> -> memref<200x128xi32, #tpu.memory_space<hbm>>
      %dma_start3A_179 = arith.constant 0 : i32
      %dma_start3A_180 = tpu.memref_slice %dma_start3A_178[%add3A_174, %dma_start3A_179] : memref<200x128xi32, #tpu.memory_space<hbm>> -> memref<1x128xi32, #tpu.memory_space<hbm>>
      %dma_start3A_181 = tpu.memref_squeeze %dma_start3A_180 : memref<1x128xi32, #tpu.memory_space<hbm>> -> memref<128xi32, #tpu.memory_space<hbm>>
      %dma_start3A_182 = arith.constant 0 : i32
      %dma_start3A_183 = arith.constant 0 : i32
      %dma_start3A_184 = tpu.memref_slice %arg3[%add3A, %dma_start3A_182, %dma_start3A_183] : memref<32x200x128xi32, #tpu.memory_space<hbm>> -> memref<1x200x128xi32, #tpu.memory_space<hbm>>
      %dma_start3A_185 = tpu.memref_squeeze %dma_start3A_184 : memref<1x200x128xi32, #tpu.memory_space<hbm>> -> memref<200x128xi32, #tpu.memory_space<hbm>>
      %dma_start3A_186 = arith.constant 0 : i32
      %dma_start3A_187 = tpu.memref_slice %dma_start3A_185[%add3A_174, %dma_start3A_186] : memref<200x128xi32, #tpu.memory_space<hbm>> -> memref<1x128xi32, #tpu.memory_space<hbm>>
      %dma_start3A_188 = tpu.memref_squeeze %dma_start3A_187 : memref<1x128xi32, #tpu.memory_space<hbm>> -> memref<128xi32, #tpu.memory_space<hbm>>
      tpu.enqueue_dma source(%dma_start3A_188 : memref<128xi32, #tpu.memory_space<hbm>>) target(%arg12 : memref<128xi32, #tpu.memory_space<vmem>>) target_semaphore(%arg29 : memref<!tpu.dma_semaphore, #tpu.memory_space<semaphore_mem>>)
      %add3A_189 = arith.constant 5 : i32
      %add3A_190 = arith.addi %add3A_13, %add3A_189 : i32
      %dma_start3A_191 = arith.constant 0 : i32
      %dma_start3A_192 = arith.constant 0 : i32
      %dma_start3A_193 = tpu.memref_slice %arg4[%arg1, %dma_start3A_191, %dma_start3A_192] : memref<16x200x128xi32, #tpu.memory_space<hbm>> -> memref<1x200x128xi32, #tpu.memory_space<hbm>>
      %dma_start3A_194 = tpu.memref_squeeze %dma_start3A_193 : memref<1x200x128xi32, #tpu.memory_space<hbm>> -> memref<200x128xi32, #tpu.memory_space<hbm>>
      %dma_start3A_195 = arith.constant 0 : i32
      %dma_start3A_196 = tpu.memref_slice %dma_start3A_194[%add3A_190, %dma_start3A_195] : memref<200x128xi32, #tpu.memory_space<hbm>> -> memref<1x128xi32, #tpu.memory_space<hbm>>
      %dma_start3A_197 = tpu.memref_squeeze %dma_start3A_196 : memref<1x128xi32, #tpu.memory_space<hbm>> -> memref<128xi32, #tpu.memory_space<hbm>>
      %dma_start3A_198 = arith.constant 0 : i32
      %dma_start3A_199 = arith.constant 0 : i32
      %dma_start3A_200 = tpu.memref_slice %arg4[%arg1, %dma_start3A_198, %dma_start3A_199] : memref<16x200x128xi32, #tpu.memory_space<hbm>> -> memref<1x200x128xi32, #tpu.memory_space<hbm>>
      %dma_start3A_201 = tpu.memref_squeeze %dma_start3A_200 : memref<1x200x128xi32, #tpu.memory_space<hbm>> -> memref<200x128xi32, #tpu.memory_space<hbm>>
      %dma_start3A_202 = arith.constant 0 : i32
      %dma_start3A_203 = tpu.memref_slice %dma_start3A_201[%add3A_190, %dma_start3A_202] : memref<200x128xi32, #tpu.memory_space<hbm>> -> memref<1x128xi32, #tpu.memory_space<hbm>>
      %dma_start3A_204 = tpu.memref_squeeze %dma_start3A_203 : memref<1x128xi32, #tpu.memory_space<hbm>> -> memref<128xi32, #tpu.memory_space<hbm>>
      tpu.enqueue_dma source(%dma_start3A_204 : memref<128xi32, #tpu.memory_space<hbm>>) target(%arg22 : memref<128xi32, #tpu.memory_space<vmem>>) target_semaphore(%arg30 : memref<!tpu.dma_semaphore, #tpu.memory_space<semaphore_mem>>)
      %add3A_205 = arith.constant 6 : i32
      %add3A_206 = arith.addi %add3A_13, %add3A_205 : i32
      %dma_start3A_207 = arith.constant 0 : i32
      %dma_start3A_208 = arith.constant 0 : i32
      %dma_start3A_209 = tpu.memref_slice %arg3[%add3A, %dma_start3A_207, %dma_start3A_208] : memref<32x200x128xi32, #tpu.memory_space<hbm>> -> memref<1x200x128xi32, #tpu.memory_space<hbm>>
      %dma_start3A_210 = tpu.memref_squeeze %dma_start3A_209 : memref<1x200x128xi32, #tpu.memory_space<hbm>> -> memref<200x128xi32, #tpu.memory_space<hbm>>
      %dma_start3A_211 = arith.constant 0 : i32
      %dma_start3A_212 = tpu.memref_slice %dma_start3A_210[%add3A_206, %dma_start3A_211] : memref<200x128xi32, #tpu.memory_space<hbm>> -> memref<1x128xi32, #tpu.memory_space<hbm>>
      %dma_start3A_213 = tpu.memref_squeeze %dma_start3A_212 : memref<1x128xi32, #tpu.memory_space<hbm>> -> memref<128xi32, #tpu.memory_space<hbm>>
      %dma_start3A_214 = arith.constant 0 : i32
      %dma_start3A_215 = arith.constant 0 : i32
      %dma_start3A_216 = tpu.memref_slice %arg3[%add3A, %dma_start3A_214, %dma_start3A_215] : memref<32x200x128xi32, #tpu.memory_space<hbm>> -> memref<1x200x128xi32, #tpu.memory_space<hbm>>
      %dma_start3A_217 = tpu.memref_squeeze %dma_start3A_216 : memref<1x200x128xi32, #tpu.memory_space<hbm>> -> memref<200x128xi32, #tpu.memory_space<hbm>>
      %dma_start3A_218 = arith.constant 0 : i32
      %dma_start3A_219 = tpu.memref_slice %dma_start3A_217[%add3A_206, %dma_start3A_218] : memref<200x128xi32, #tpu.memory_space<hbm>> -> memref<1x128xi32, #tpu.memory_space<hbm>>
      %dma_start3A_220 = tpu.memref_squeeze %dma_start3A_219 : memref<1x128xi32, #tpu.memory_space<hbm>> -> memref<128xi32, #tpu.memory_space<hbm>>
      tpu.enqueue_dma source(%dma_start3A_220 : memref<128xi32, #tpu.memory_space<hbm>>) target(%arg13 : memref<128xi32, #tpu.memory_space<vmem>>) target_semaphore(%arg29 : memref<!tpu.dma_semaphore, #tpu.memory_space<semaphore_mem>>)
      %add3A_221 = arith.constant 6 : i32
      %add3A_222 = arith.addi %add3A_13, %add3A_221 : i32
      %dma_start3A_223 = arith.constant 0 : i32
      %dma_start3A_224 = arith.constant 0 : i32
      %dma_start3A_225 = tpu.memref_slice %arg4[%arg1, %dma_start3A_223, %dma_start3A_224] : memref<16x200x128xi32, #tpu.memory_space<hbm>> -> memref<1x200x128xi32, #tpu.memory_space<hbm>>
      %dma_start3A_226 = tpu.memref_squeeze %dma_start3A_225 : memref<1x200x128xi32, #tpu.memory_space<hbm>> -> memref<200x128xi32, #tpu.memory_space<hbm>>
      %dma_start3A_227 = arith.constant 0 : i32
      %dma_start3A_228 = tpu.memref_slice %dma_start3A_226[%add3A_222, %dma_start3A_227] : memref<200x128xi32, #tpu.memory_space<hbm>> -> memref<1x128xi32, #tpu.memory_space<hbm>>
      %dma_start3A_229 = tpu.memref_squeeze %dma_start3A_228 : memref<1x128xi32, #tpu.memory_space<hbm>> -> memref<128xi32, #tpu.memory_space<hbm>>
      %dma_start3A_230 = arith.constant 0 : i32
      %dma_start3A_231 = arith.constant 0 : i32
      %dma_start3A_232 = tpu.memref_slice %arg4[%arg1, %dma_start3A_230, %dma_start3A_231] : memref<16x200x128xi32, #tpu.memory_space<hbm>> -> memref<1x200x128xi32, #tpu.memory_space<hbm>>
      %dma_start3A_233 = tpu.memref_squeeze %dma_start3A_232 : memref<1x200x128xi32, #tpu.memory_space<hbm>> -> memref<200x128xi32, #tpu.memory_space<hbm>>
      %dma_start3A_234 = arith.constant 0 : i32
      %dma_start3A_235 = tpu.memref_slice %dma_start3A_233[%add3A_222, %dma_start3A_234] : memref<200x128xi32, #tpu.memory_space<hbm>> -> memref<1x128xi32, #tpu.memory_space<hbm>>
      %dma_start3A_236 = tpu.memref_squeeze %dma_start3A_235 : memref<1x128xi32, #tpu.memory_space<hbm>> -> memref<128xi32, #tpu.memory_space<hbm>>
      tpu.enqueue_dma source(%dma_start3A_236 : memref<128xi32, #tpu.memory_space<hbm>>) target(%arg23 : memref<128xi32, #tpu.memory_space<vmem>>) target_semaphore(%arg30 : memref<!tpu.dma_semaphore, #tpu.memory_space<semaphore_mem>>)
      %add3A_237 = arith.constant 7 : i32
      %add3A_238 = arith.addi %add3A_13, %add3A_237 : i32
      %dma_start3A_239 = arith.constant 0 : i32
      %dma_start3A_240 = arith.constant 0 : i32
      %dma_start3A_241 = tpu.memref_slice %arg3[%add3A, %dma_start3A_239, %dma_start3A_240] : memref<32x200x128xi32, #tpu.memory_space<hbm>> -> memref<1x200x128xi32, #tpu.memory_space<hbm>>
      %dma_start3A_242 = tpu.memref_squeeze %dma_start3A_241 : memref<1x200x128xi32, #tpu.memory_space<hbm>> -> memref<200x128xi32, #tpu.memory_space<hbm>>
      %dma_start3A_243 = arith.constant 0 : i32
      %dma_start3A_244 = tpu.memref_slice %dma_start3A_242[%add3A_238, %dma_start3A_243] : memref<200x128xi32, #tpu.memory_space<hbm>> -> memref<1x128xi32, #tpu.memory_space<hbm>>
      %dma_start3A_245 = tpu.memref_squeeze %dma_start3A_244 : memref<1x128xi32, #tpu.memory_space<hbm>> -> memref<128xi32, #tpu.memory_space<hbm>>
      %dma_start3A_246 = arith.constant 0 : i32
      %dma_start3A_247 = arith.constant 0 : i32
      %dma_start3A_248 = tpu.memref_slice %arg3[%add3A, %dma_start3A_246, %dma_start3A_247] : memref<32x200x128xi32, #tpu.memory_space<hbm>> -> memref<1x200x128xi32, #tpu.memory_space<hbm>>
      %dma_start3A_249 = tpu.memref_squeeze %dma_start3A_248 : memref<1x200x128xi32, #tpu.memory_space<hbm>> -> memref<200x128xi32, #tpu.memory_space<hbm>>
      %dma_start3A_250 = arith.constant 0 : i32
      %dma_start3A_251 = tpu.memref_slice %dma_start3A_249[%add3A_238, %dma_start3A_250] : memref<200x128xi32, #tpu.memory_space<hbm>> -> memref<1x128xi32, #tpu.memory_space<hbm>>
      %dma_start3A_252 = tpu.memref_squeeze %dma_start3A_251 : memref<1x128xi32, #tpu.memory_space<hbm>> -> memref<128xi32, #tpu.memory_space<hbm>>
      tpu.enqueue_dma source(%dma_start3A_252 : memref<128xi32, #tpu.memory_space<hbm>>) target(%arg14 : memref<128xi32, #tpu.memory_space<vmem>>) target_semaphore(%arg29 : memref<!tpu.dma_semaphore, #tpu.memory_space<semaphore_mem>>)
      %add3A_253 = arith.constant 7 : i32
      %add3A_254 = arith.addi %add3A_13, %add3A_253 : i32
      %dma_start3A_255 = arith.constant 0 : i32
      %dma_start3A_256 = arith.constant 0 : i32
      %dma_start3A_257 = tpu.memref_slice %arg4[%arg1, %dma_start3A_255, %dma_start3A_256] : memref<16x200x128xi32, #tpu.memory_space<hbm>> -> memref<1x200x128xi32, #tpu.memory_space<hbm>>
      %dma_start3A_258 = tpu.memref_squeeze %dma_start3A_257 : memref<1x200x128xi32, #tpu.memory_space<hbm>> -> memref<200x128xi32, #tpu.memory_space<hbm>>
      %dma_start3A_259 = arith.constant 0 : i32
      %dma_start3A_260 = tpu.memref_slice %dma_start3A_258[%add3A_254, %dma_start3A_259] : memref<200x128xi32, #tpu.memory_space<hbm>> -> memref<1x128xi32, #tpu.memory_space<hbm>>
      %dma_start3A_261 = tpu.memref_squeeze %dma_start3A_260 : memref<1x128xi32, #tpu.memory_space<hbm>> -> memref<128xi32, #tpu.memory_space<hbm>>
      %dma_start3A_262 = arith.constant 0 : i32
      %dma_start3A_263 = arith.constant 0 : i32
      %dma_start3A_264 = tpu.memref_slice %arg4[%arg1, %dma_start3A_262, %dma_start3A_263] : memref<16x200x128xi32, #tpu.memory_space<hbm>> -> memref<1x200x128xi32, #tpu.memory_space<hbm>>
      %dma_start3A_265 = tpu.memref_squeeze %dma_start3A_264 : memref<1x200x128xi32, #tpu.memory_space<hbm>> -> memref<200x128xi32, #tpu.memory_space<hbm>>
      %dma_start3A_266 = arith.constant 0 : i32
      %dma_start3A_267 = tpu.memref_slice %dma_start3A_265[%add3A_254, %dma_start3A_266] : memref<200x128xi32, #tpu.memory_space<hbm>> -> memref<1x128xi32, #tpu.memory_space<hbm>>
      %dma_start3A_268 = tpu.memref_squeeze %dma_start3A_267 : memref<1x128xi32, #tpu.memory_space<hbm>> -> memref<128xi32, #tpu.memory_space<hbm>>
      tpu.enqueue_dma source(%dma_start3A_268 : memref<128xi32, #tpu.memory_space<hbm>>) target(%arg24 : memref<128xi32, #tpu.memory_space<vmem>>) target_semaphore(%arg30 : memref<!tpu.dma_semaphore, #tpu.memory_space<semaphore_mem>>)
      %add3A_269 = arith.constant 8 : i32
      %add3A_270 = arith.addi %add3A_13, %add3A_269 : i32
      %dma_start3A_271 = arith.constant 0 : i32
      %dma_start3A_272 = arith.constant 0 : i32
      %dma_start3A_273 = tpu.memref_slice %arg3[%add3A, %dma_start3A_271, %dma_start3A_272] : memref<32x200x128xi32, #tpu.memory_space<hbm>> -> memref<1x200x128xi32, #tpu.memory_space<hbm>>
      %dma_start3A_274 = tpu.memref_squeeze %dma_start3A_273 : memref<1x200x128xi32, #tpu.memory_space<hbm>> -> memref<200x128xi32, #tpu.memory_space<hbm>>
      %dma_start3A_275 = arith.constant 0 : i32
      %dma_start3A_276 = tpu.memref_slice %dma_start3A_274[%add3A_270, %dma_start3A_275] : memref<200x128xi32, #tpu.memory_space<hbm>> -> memref<1x128xi32, #tpu.memory_space<hbm>>
      %dma_start3A_277 = tpu.memref_squeeze %dma_start3A_276 : memref<1x128xi32, #tpu.memory_space<hbm>> -> memref<128xi32, #tpu.memory_space<hbm>>
      %dma_start3A_278 = arith.constant 0 : i32
      %dma_start3A_279 = arith.constant 0 : i32
      %dma_start3A_280 = tpu.memref_slice %arg3[%add3A, %dma_start3A_278, %dma_start3A_279] : memref<32x200x128xi32, #tpu.memory_space<hbm>> -> memref<1x200x128xi32, #tpu.memory_space<hbm>>
      %dma_start3A_281 = tpu.memref_squeeze %dma_start3A_280 : memref<1x200x128xi32, #tpu.memory_space<hbm>> -> memref<200x128xi32, #tpu.memory_space<hbm>>
      %dma_start3A_282 = arith.constant 0 : i32
      %dma_start3A_283 = tpu.memref_slice %dma_start3A_281[%add3A_270, %dma_start3A_282] : memref<200x128xi32, #tpu.memory_space<hbm>> -> memref<1x128xi32, #tpu.memory_space<hbm>>
      %dma_start3A_284 = tpu.memref_squeeze %dma_start3A_283 : memref<1x128xi32, #tpu.memory_space<hbm>> -> memref<128xi32, #tpu.memory_space<hbm>>
      tpu.enqueue_dma source(%dma_start3A_284 : memref<128xi32, #tpu.memory_space<hbm>>) target(%arg15 : memref<128xi32, #tpu.memory_space<vmem>>) target_semaphore(%arg29 : memref<!tpu.dma_semaphore, #tpu.memory_space<semaphore_mem>>)
      %add3A_285 = arith.constant 8 : i32
      %add3A_286 = arith.addi %add3A_13, %add3A_285 : i32
      %dma_start3A_287 = arith.constant 0 : i32
      %dma_start3A_288 = arith.constant 0 : i32
      %dma_start3A_289 = tpu.memref_slice %arg4[%arg1, %dma_start3A_287, %dma_start3A_288] : memref<16x200x128xi32, #tpu.memory_space<hbm>> -> memref<1x200x128xi32, #tpu.memory_space<hbm>>
      %dma_start3A_290 = tpu.memref_squeeze %dma_start3A_289 : memref<1x200x128xi32, #tpu.memory_space<hbm>> -> memref<200x128xi32, #tpu.memory_space<hbm>>
      %dma_start3A_291 = arith.constant 0 : i32
      %dma_start3A_292 = tpu.memref_slice %dma_start3A_290[%add3A_286, %dma_start3A_291] : memref<200x128xi32, #tpu.memory_space<hbm>> -> memref<1x128xi32, #tpu.memory_space<hbm>>
      %dma_start3A_293 = tpu.memref_squeeze %dma_start3A_292 : memref<1x128xi32, #tpu.memory_space<hbm>> -> memref<128xi32, #tpu.memory_space<hbm>>
      %dma_start3A_294 = arith.constant 0 : i32
      %dma_start3A_295 = arith.constant 0 : i32
      %dma_start3A_296 = tpu.memref_slice %arg4[%arg1, %dma_start3A_294, %dma_start3A_295] : memref<16x200x128xi32, #tpu.memory_space<hbm>> -> memref<1x200x128xi32, #tpu.memory_space<hbm>>
      %dma_start3A_297 = tpu.memref_squeeze %dma_start3A_296 : memref<1x200x128xi32, #tpu.memory_space<hbm>> -> memref<200x128xi32, #tpu.memory_space<hbm>>
      %dma_start3A_298 = arith.constant 0 : i32
      %dma_start3A_299 = tpu.memref_slice %dma_start3A_297[%add3A_286, %dma_start3A_298] : memref<200x128xi32, #tpu.memory_space<hbm>> -> memref<1x128xi32, #tpu.memory_space<hbm>>
      %dma_start3A_300 = tpu.memref_squeeze %dma_start3A_299 : memref<1x128xi32, #tpu.memory_space<hbm>> -> memref<128xi32, #tpu.memory_space<hbm>>
      tpu.enqueue_dma source(%dma_start3A_300 : memref<128xi32, #tpu.memory_space<hbm>>) target(%arg25 : memref<128xi32, #tpu.memory_space<vmem>>) target_semaphore(%arg30 : memref<!tpu.dma_semaphore, #tpu.memory_space<semaphore_mem>>)
      %add3A_301 = arith.constant 9 : i32
      %add3A_302 = arith.addi %add3A_13, %add3A_301 : i32
      %dma_start3A_303 = arith.constant 0 : i32
      %dma_start3A_304 = arith.constant 0 : i32
      %dma_start3A_305 = tpu.memref_slice %arg3[%add3A, %dma_start3A_303, %dma_start3A_304] : memref<32x200x128xi32, #tpu.memory_space<hbm>> -> memref<1x200x128xi32, #tpu.memory_space<hbm>>
      %dma_start3A_306 = tpu.memref_squeeze %dma_start3A_305 : memref<1x200x128xi32, #tpu.memory_space<hbm>> -> memref<200x128xi32, #tpu.memory_space<hbm>>
      %dma_start3A_307 = arith.constant 0 : i32
      %dma_start3A_308 = tpu.memref_slice %dma_start3A_306[%add3A_302, %dma_start3A_307] : memref<200x128xi32, #tpu.memory_space<hbm>> -> memref<1x128xi32, #tpu.memory_space<hbm>>
      %dma_start3A_309 = tpu.memref_squeeze %dma_start3A_308 : memref<1x128xi32, #tpu.memory_space<hbm>> -> memref<128xi32, #tpu.memory_space<hbm>>
      %dma_start3A_310 = arith.constant 0 : i32
      %dma_start3A_311 = arith.constant 0 : i32
      %dma_start3A_312 = tpu.memref_slice %arg3[%add3A, %dma_start3A_310, %dma_start3A_311] : memref<32x200x128xi32, #tpu.memory_space<hbm>> -> memref<1x200x128xi32, #tpu.memory_space<hbm>>
      %dma_start3A_313 = tpu.memref_squeeze %dma_start3A_312 : memref<1x200x128xi32, #tpu.memory_space<hbm>> -> memref<200x128xi32, #tpu.memory_space<hbm>>
      %dma_start3A_314 = arith.constant 0 : i32
      %dma_start3A_315 = tpu.memref_slice %dma_start3A_313[%add3A_302, %dma_start3A_314] : memref<200x128xi32, #tpu.memory_space<hbm>> -> memref<1x128xi32, #tpu.memory_space<hbm>>
      %dma_start3A_316 = tpu.memref_squeeze %dma_start3A_315 : memref<1x128xi32, #tpu.memory_space<hbm>> -> memref<128xi32, #tpu.memory_space<hbm>>
      tpu.enqueue_dma source(%dma_start3A_316 : memref<128xi32, #tpu.memory_space<hbm>>) target(%arg16 : memref<128xi32, #tpu.memory_space<vmem>>) target_semaphore(%arg29 : memref<!tpu.dma_semaphore, #tpu.memory_space<semaphore_mem>>)
      %add3A_317 = arith.constant 9 : i32
      %add3A_318 = arith.addi %add3A_13, %add3A_317 : i32
      %dma_start3A_319 = arith.constant 0 : i32
      %dma_start3A_320 = arith.constant 0 : i32
      %dma_start3A_321 = tpu.memref_slice %arg4[%arg1, %dma_start3A_319, %dma_start3A_320] : memref<16x200x128xi32, #tpu.memory_space<hbm>> -> memref<1x200x128xi32, #tpu.memory_space<hbm>>
      %dma_start3A_322 = tpu.memref_squeeze %dma_start3A_321 : memref<1x200x128xi32, #tpu.memory_space<hbm>> -> memref<200x128xi32, #tpu.memory_space<hbm>>
      %dma_start3A_323 = arith.constant 0 : i32
      %dma_start3A_324 = tpu.memref_slice %dma_start3A_322[%add3A_318, %dma_start3A_323] : memref<200x128xi32, #tpu.memory_space<hbm>> -> memref<1x128xi32, #tpu.memory_space<hbm>>
      %dma_start3A_325 = tpu.memref_squeeze %dma_start3A_324 : memref<1x128xi32, #tpu.memory_space<hbm>> -> memref<128xi32, #tpu.memory_space<hbm>>
      %dma_start3A_326 = arith.constant 0 : i32
      %dma_start3A_327 = arith.constant 0 : i32
      %dma_start3A_328 = tpu.memref_slice %arg4[%arg1, %dma_start3A_326, %dma_start3A_327] : memref<16x200x128xi32, #tpu.memory_space<hbm>> -> memref<1x200x128xi32, #tpu.memory_space<hbm>>
      %dma_start3A_329 = tpu.memref_squeeze %dma_start3A_328 : memref<1x200x128xi32, #tpu.memory_space<hbm>> -> memref<200x128xi32, #tpu.memory_space<hbm>>
      %dma_start3A_330 = arith.constant 0 : i32
      %dma_start3A_331 = tpu.memref_slice %dma_start3A_329[%add3A_318, %dma_start3A_330] : memref<200x128xi32, #tpu.memory_space<hbm>> -> memref<1x128xi32, #tpu.memory_space<hbm>>
      %dma_start3A_332 = tpu.memref_squeeze %dma_start3A_331 : memref<1x128xi32, #tpu.memory_space<hbm>> -> memref<128xi32, #tpu.memory_space<hbm>>
      tpu.enqueue_dma source(%dma_start3A_332 : memref<128xi32, #tpu.memory_space<hbm>>) target(%arg26 : memref<128xi32, #tpu.memory_space<vmem>>) target_semaphore(%arg30 : memref<!tpu.dma_semaphore, #tpu.memory_space<semaphore_mem>>)
      %add3A_333 = arith.constant 0 : i32
      %add3A_334 = arith.addi %add3A_13, %add3A_333 : i32
      %dma_wait3A = arith.constant 0 : i32
      %dma_wait3A_335 = arith.constant 0 : i32
      %dma_wait3A_336 = tpu.memref_slice %arg3[%add3A, %dma_wait3A, %dma_wait3A_335] : memref<32x200x128xi32, #tpu.memory_space<hbm>> -> memref<1x200x128xi32, #tpu.memory_space<hbm>>
      %dma_wait3A_337 = tpu.memref_squeeze %dma_wait3A_336 : memref<1x200x128xi32, #tpu.memory_space<hbm>> -> memref<200x128xi32, #tpu.memory_space<hbm>>
      %dma_wait3A_338 = arith.constant 0 : i32
      %dma_wait3A_339 = tpu.memref_slice %dma_wait3A_337[%add3A_334, %dma_wait3A_338] : memref<200x128xi32, #tpu.memory_space<hbm>> -> memref<1x128xi32, #tpu.memory_space<hbm>>
      %dma_wait3A_340 = tpu.memref_squeeze %dma_wait3A_339 : memref<1x128xi32, #tpu.memory_space<hbm>> -> memref<128xi32, #tpu.memory_space<hbm>>
      %dma_wait3A_341 = arith.constant 0 : i32
      %dma_wait3A_342 = arith.constant 0 : i32
      %dma_wait3A_343 = tpu.memref_slice %arg3[%add3A, %dma_wait3A_341, %dma_wait3A_342] : memref<32x200x128xi32, #tpu.memory_space<hbm>> -> memref<1x200x128xi32, #tpu.memory_space<hbm>>
      %dma_wait3A_344 = tpu.memref_squeeze %dma_wait3A_343 : memref<1x200x128xi32, #tpu.memory_space<hbm>> -> memref<200x128xi32, #tpu.memory_space<hbm>>
      %dma_wait3A_345 = arith.constant 0 : i32
      %dma_wait3A_346 = tpu.memref_slice %dma_wait3A_344[%add3A_334, %dma_wait3A_345] : memref<200x128xi32, #tpu.memory_space<hbm>> -> memref<1x128xi32, #tpu.memory_space<hbm>>
      %dma_wait3A_347 = tpu.memref_squeeze %dma_wait3A_346 : memref<1x128xi32, #tpu.memory_space<hbm>> -> memref<128xi32, #tpu.memory_space<hbm>>
      tpu.wait_dma2 semaphore(%arg29 : memref<!tpu.dma_semaphore, #tpu.memory_space<semaphore_mem>>) src(%dma_wait3A_347 : memref<128xi32, #tpu.memory_space<hbm>>) dst(%arg7 : memref<128xi32, #tpu.memory_space<vmem>>)
      %add3A_348 = arith.constant 0 : i32
      %add3A_349 = arith.addi %add3A_13, %add3A_348 : i32
      %dma_wait3A_350 = arith.constant 0 : i32
      %dma_wait3A_351 = arith.constant 0 : i32
      %dma_wait3A_352 = tpu.memref_slice %arg4[%arg1, %dma_wait3A_350, %dma_wait3A_351] : memref<16x200x128xi32, #tpu.memory_space<hbm>> -> memref<1x200x128xi32, #tpu.memory_space<hbm>>
      %dma_wait3A_353 = tpu.memref_squeeze %dma_wait3A_352 : memref<1x200x128xi32, #tpu.memory_space<hbm>> -> memref<200x128xi32, #tpu.memory_space<hbm>>
      %dma_wait3A_354 = arith.constant 0 : i32
      %dma_wait3A_355 = tpu.memref_slice %dma_wait3A_353[%add3A_349, %dma_wait3A_354] : memref<200x128xi32, #tpu.memory_space<hbm>> -> memref<1x128xi32, #tpu.memory_space<hbm>>
      %dma_wait3A_356 = tpu.memref_squeeze %dma_wait3A_355 : memref<1x128xi32, #tpu.memory_space<hbm>> -> memref<128xi32, #tpu.memory_space<hbm>>
      %dma_wait3A_357 = arith.constant 0 : i32
      %dma_wait3A_358 = arith.constant 0 : i32
      %dma_wait3A_359 = tpu.memref_slice %arg4[%arg1, %dma_wait3A_357, %dma_wait3A_358] : memref<16x200x128xi32, #tpu.memory_space<hbm>> -> memref<1x200x128xi32, #tpu.memory_space<hbm>>
      %dma_wait3A_360 = tpu.memref_squeeze %dma_wait3A_359 : memref<1x200x128xi32, #tpu.memory_space<hbm>> -> memref<200x128xi32, #tpu.memory_space<hbm>>
      %dma_wait3A_361 = arith.constant 0 : i32
      %dma_wait3A_362 = tpu.memref_slice %dma_wait3A_360[%add3A_349, %dma_wait3A_361] : memref<200x128xi32, #tpu.memory_space<hbm>> -> memref<1x128xi32, #tpu.memory_space<hbm>>
      %dma_wait3A_363 = tpu.memref_squeeze %dma_wait3A_362 : memref<1x128xi32, #tpu.memory_space<hbm>> -> memref<128xi32, #tpu.memory_space<hbm>>
      tpu.wait_dma2 semaphore(%arg30 : memref<!tpu.dma_semaphore, #tpu.memory_space<semaphore_mem>>) src(%dma_wait3A_363 : memref<128xi32, #tpu.memory_space<hbm>>) dst(%arg17 : memref<128xi32, #tpu.memory_space<vmem>>)
      %add3A_364 = arith.constant 1 : i32
      %add3A_365 = arith.addi %add3A_13, %add3A_364 : i32
      %dma_wait3A_366 = arith.constant 0 : i32
      %dma_wait3A_367 = arith.constant 0 : i32
      %dma_wait3A_368 = tpu.memref_slice %arg3[%add3A, %dma_wait3A_366, %dma_wait3A_367] : memref<32x200x128xi32, #tpu.memory_space<hbm>> -> memref<1x200x128xi32, #tpu.memory_space<hbm>>
      %dma_wait3A_369 = tpu.memref_squeeze %dma_wait3A_368 : memref<1x200x128xi32, #tpu.memory_space<hbm>> -> memref<200x128xi32, #tpu.memory_space<hbm>>
      %dma_wait3A_370 = arith.constant 0 : i32
      %dma_wait3A_371 = tpu.memref_slice %dma_wait3A_369[%add3A_365, %dma_wait3A_370] : memref<200x128xi32, #tpu.memory_space<hbm>> -> memref<1x128xi32, #tpu.memory_space<hbm>>
      %dma_wait3A_372 = tpu.memref_squeeze %dma_wait3A_371 : memref<1x128xi32, #tpu.memory_space<hbm>> -> memref<128xi32, #tpu.memory_space<hbm>>
      %dma_wait3A_373 = arith.constant 0 : i32
      %dma_wait3A_374 = arith.constant 0 : i32
      %dma_wait3A_375 = tpu.memref_slice %arg3[%add3A, %dma_wait3A_373, %dma_wait3A_374] : memref<32x200x128xi32, #tpu.memory_space<hbm>> -> memref<1x200x128xi32, #tpu.memory_space<hbm>>
      %dma_wait3A_376 = tpu.memref_squeeze %dma_wait3A_375 : memref<1x200x128xi32, #tpu.memory_space<hbm>> -> memref<200x128xi32, #tpu.memory_space<hbm>>
      %dma_wait3A_377 = arith.constant 0 : i32
      %dma_wait3A_378 = tpu.memref_slice %dma_wait3A_376[%add3A_365, %dma_wait3A_377] : memref<200x128xi32, #tpu.memory_space<hbm>> -> memref<1x128xi32, #tpu.memory_space<hbm>>
      %dma_wait3A_379 = tpu.memref_squeeze %dma_wait3A_378 : memref<1x128xi32, #tpu.memory_space<hbm>> -> memref<128xi32, #tpu.memory_space<hbm>>
      tpu.wait_dma2 semaphore(%arg29 : memref<!tpu.dma_semaphore, #tpu.memory_space<semaphore_mem>>) src(%dma_wait3A_379 : memref<128xi32, #tpu.memory_space<hbm>>) dst(%arg8 : memref<128xi32, #tpu.memory_space<vmem>>)
      %add3A_380 = arith.constant 1 : i32
      %add3A_381 = arith.addi %add3A_13, %add3A_380 : i32
      %dma_wait3A_382 = arith.constant 0 : i32
      %dma_wait3A_383 = arith.constant 0 : i32
      %dma_wait3A_384 = tpu.memref_slice %arg4[%arg1, %dma_wait3A_382, %dma_wait3A_383] : memref<16x200x128xi32, #tpu.memory_space<hbm>> -> memref<1x200x128xi32, #tpu.memory_space<hbm>>
      %dma_wait3A_385 = tpu.memref_squeeze %dma_wait3A_384 : memref<1x200x128xi32, #tpu.memory_space<hbm>> -> memref<200x128xi32, #tpu.memory_space<hbm>>
      %dma_wait3A_386 = arith.constant 0 : i32
      %dma_wait3A_387 = tpu.memref_slice %dma_wait3A_385[%add3A_381, %dma_wait3A_386] : memref<200x128xi32, #tpu.memory_space<hbm>> -> memref<1x128xi32, #tpu.memory_space<hbm>>
      %dma_wait3A_388 = tpu.memref_squeeze %dma_wait3A_387 : memref<1x128xi32, #tpu.memory_space<hbm>> -> memref<128xi32, #tpu.memory_space<hbm>>
      %dma_wait3A_389 = arith.constant 0 : i32
      %dma_wait3A_390 = arith.constant 0 : i32
      %dma_wait3A_391 = tpu.memref_slice %arg4[%arg1, %dma_wait3A_389, %dma_wait3A_390] : memref<16x200x128xi32, #tpu.memory_space<hbm>> -> memref<1x200x128xi32, #tpu.memory_space<hbm>>
      %dma_wait3A_392 = tpu.memref_squeeze %dma_wait3A_391 : memref<1x200x128xi32, #tpu.memory_space<hbm>> -> memref<200x128xi32, #tpu.memory_space<hbm>>
      %dma_wait3A_393 = arith.constant 0 : i32
      %dma_wait3A_394 = tpu.memref_slice %dma_wait3A_392[%add3A_381, %dma_wait3A_393] : memref<200x128xi32, #tpu.memory_space<hbm>> -> memref<1x128xi32, #tpu.memory_space<hbm>>
      %dma_wait3A_395 = tpu.memref_squeeze %dma_wait3A_394 : memref<1x128xi32, #tpu.memory_space<hbm>> -> memref<128xi32, #tpu.memory_space<hbm>>
      tpu.wait_dma2 semaphore(%arg30 : memref<!tpu.dma_semaphore, #tpu.memory_space<semaphore_mem>>) src(%dma_wait3A_395 : memref<128xi32, #tpu.memory_space<hbm>>) dst(%arg18 : memref<128xi32, #tpu.memory_space<vmem>>)
      %add3A_396 = arith.constant 2 : i32
      %add3A_397 = arith.addi %add3A_13, %add3A_396 : i32
      %dma_wait3A_398 = arith.constant 0 : i32
      %dma_wait3A_399 = arith.constant 0 : i32
      %dma_wait3A_400 = tpu.memref_slice %arg3[%add3A, %dma_wait3A_398, %dma_wait3A_399] : memref<32x200x128xi32, #tpu.memory_space<hbm>> -> memref<1x200x128xi32, #tpu.memory_space<hbm>>
      %dma_wait3A_401 = tpu.memref_squeeze %dma_wait3A_400 : memref<1x200x128xi32, #tpu.memory_space<hbm>> -> memref<200x128xi32, #tpu.memory_space<hbm>>
      %dma_wait3A_402 = arith.constant 0 : i32
      %dma_wait3A_403 = tpu.memref_slice %dma_wait3A_401[%add3A_397, %dma_wait3A_402] : memref<200x128xi32, #tpu.memory_space<hbm>> -> memref<1x128xi32, #tpu.memory_space<hbm>>
      %dma_wait3A_404 = tpu.memref_squeeze %dma_wait3A_403 : memref<1x128xi32, #tpu.memory_space<hbm>> -> memref<128xi32, #tpu.memory_space<hbm>>
      %dma_wait3A_405 = arith.constant 0 : i32
      %dma_wait3A_406 = arith.constant 0 : i32
      %dma_wait3A_407 = tpu.memref_slice %arg3[%add3A, %dma_wait3A_405, %dma_wait3A_406] : memref<32x200x128xi32, #tpu.memory_space<hbm>> -> memref<1x200x128xi32, #tpu.memory_space<hbm>>
      %dma_wait3A_408 = tpu.memref_squeeze %dma_wait3A_407 : memref<1x200x128xi32, #tpu.memory_space<hbm>> -> memref<200x128xi32, #tpu.memory_space<hbm>>
      %dma_wait3A_409 = arith.constant 0 : i32
      %dma_wait3A_410 = tpu.memref_slice %dma_wait3A_408[%add3A_397, %dma_wait3A_409] : memref<200x128xi32, #tpu.memory_space<hbm>> -> memref<1x128xi32, #tpu.memory_space<hbm>>
      %dma_wait3A_411 = tpu.memref_squeeze %dma_wait3A_410 : memref<1x128xi32, #tpu.memory_space<hbm>> -> memref<128xi32, #tpu.memory_space<hbm>>
      tpu.wait_dma2 semaphore(%arg29 : memref<!tpu.dma_semaphore, #tpu.memory_space<semaphore_mem>>) src(%dma_wait3A_411 : memref<128xi32, #tpu.memory_space<hbm>>) dst(%arg9 : memref<128xi32, #tpu.memory_space<vmem>>)
      %add3A_412 = arith.constant 2 : i32
      %add3A_413 = arith.addi %add3A_13, %add3A_412 : i32
      %dma_wait3A_414 = arith.constant 0 : i32
      %dma_wait3A_415 = arith.constant 0 : i32
      %dma_wait3A_416 = tpu.memref_slice %arg4[%arg1, %dma_wait3A_414, %dma_wait3A_415] : memref<16x200x128xi32, #tpu.memory_space<hbm>> -> memref<1x200x128xi32, #tpu.memory_space<hbm>>
      %dma_wait3A_417 = tpu.memref_squeeze %dma_wait3A_416 : memref<1x200x128xi32, #tpu.memory_space<hbm>> -> memref<200x128xi32, #tpu.memory_space<hbm>>
      %dma_wait3A_418 = arith.constant 0 : i32
      %dma_wait3A_419 = tpu.memref_slice %dma_wait3A_417[%add3A_413, %dma_wait3A_418] : memref<200x128xi32, #tpu.memory_space<hbm>> -> memref<1x128xi32, #tpu.memory_space<hbm>>
      %dma_wait3A_420 = tpu.memref_squeeze %dma_wait3A_419 : memref<1x128xi32, #tpu.memory_space<hbm>> -> memref<128xi32, #tpu.memory_space<hbm>>
      %dma_wait3A_421 = arith.constant 0 : i32
      %dma_wait3A_422 = arith.constant 0 : i32
      %dma_wait3A_423 = tpu.memref_slice %arg4[%arg1, %dma_wait3A_421, %dma_wait3A_422] : memref<16x200x128xi32, #tpu.memory_space<hbm>> -> memref<1x200x128xi32, #tpu.memory_space<hbm>>
      %dma_wait3A_424 = tpu.memref_squeeze %dma_wait3A_423 : memref<1x200x128xi32, #tpu.memory_space<hbm>> -> memref<200x128xi32, #tpu.memory_space<hbm>>
      %dma_wait3A_425 = arith.constant 0 : i32
      %dma_wait3A_426 = tpu.memref_slice %dma_wait3A_424[%add3A_413, %dma_wait3A_425] : memref<200x128xi32, #tpu.memory_space<hbm>> -> memref<1x128xi32, #tpu.memory_space<hbm>>
      %dma_wait3A_427 = tpu.memref_squeeze %dma_wait3A_426 : memref<1x128xi32, #tpu.memory_space<hbm>> -> memref<128xi32, #tpu.memory_space<hbm>>
      tpu.wait_dma2 semaphore(%arg30 : memref<!tpu.dma_semaphore, #tpu.memory_space<semaphore_mem>>) src(%dma_wait3A_427 : memref<128xi32, #tpu.memory_space<hbm>>) dst(%arg19 : memref<128xi32, #tpu.memory_space<vmem>>)
      %add3A_428 = arith.constant 3 : i32
      %add3A_429 = arith.addi %add3A_13, %add3A_428 : i32
      %dma_wait3A_430 = arith.constant 0 : i32
      %dma_wait3A_431 = arith.constant 0 : i32
      %dma_wait3A_432 = tpu.memref_slice %arg3[%add3A, %dma_wait3A_430, %dma_wait3A_431] : memref<32x200x128xi32, #tpu.memory_space<hbm>> -> memref<1x200x128xi32, #tpu.memory_space<hbm>>
      %dma_wait3A_433 = tpu.memref_squeeze %dma_wait3A_432 : memref<1x200x128xi32, #tpu.memory_space<hbm>> -> memref<200x128xi32, #tpu.memory_space<hbm>>
      %dma_wait3A_434 = arith.constant 0 : i32
      %dma_wait3A_435 = tpu.memref_slice %dma_wait3A_433[%add3A_429, %dma_wait3A_434] : memref<200x128xi32, #tpu.memory_space<hbm>> -> memref<1x128xi32, #tpu.memory_space<hbm>>
      %dma_wait3A_436 = tpu.memref_squeeze %dma_wait3A_435 : memref<1x128xi32, #tpu.memory_space<hbm>> -> memref<128xi32, #tpu.memory_space<hbm>>
      %dma_wait3A_437 = arith.constant 0 : i32
      %dma_wait3A_438 = arith.constant 0 : i32
      %dma_wait3A_439 = tpu.memref_slice %arg3[%add3A, %dma_wait3A_437, %dma_wait3A_438] : memref<32x200x128xi32, #tpu.memory_space<hbm>> -> memref<1x200x128xi32, #tpu.memory_space<hbm>>
      %dma_wait3A_440 = tpu.memref_squeeze %dma_wait3A_439 : memref<1x200x128xi32, #tpu.memory_space<hbm>> -> memref<200x128xi32, #tpu.memory_space<hbm>>
      %dma_wait3A_441 = arith.constant 0 : i32
      %dma_wait3A_442 = tpu.memref_slice %dma_wait3A_440[%add3A_429, %dma_wait3A_441] : memref<200x128xi32, #tpu.memory_space<hbm>> -> memref<1x128xi32, #tpu.memory_space<hbm>>
      %dma_wait3A_443 = tpu.memref_squeeze %dma_wait3A_442 : memref<1x128xi32, #tpu.memory_space<hbm>> -> memref<128xi32, #tpu.memory_space<hbm>>
      tpu.wait_dma2 semaphore(%arg29 : memref<!tpu.dma_semaphore, #tpu.memory_space<semaphore_mem>>) src(%dma_wait3A_443 : memref<128xi32, #tpu.memory_space<hbm>>) dst(%arg10 : memref<128xi32, #tpu.memory_space<vmem>>)
      %add3A_444 = arith.constant 3 : i32
      %add3A_445 = arith.addi %add3A_13, %add3A_444 : i32
      %dma_wait3A_446 = arith.constant 0 : i32
      %dma_wait3A_447 = arith.constant 0 : i32
      %dma_wait3A_448 = tpu.memref_slice %arg4[%arg1, %dma_wait3A_446, %dma_wait3A_447] : memref<16x200x128xi32, #tpu.memory_space<hbm>> -> memref<1x200x128xi32, #tpu.memory_space<hbm>>
      %dma_wait3A_449 = tpu.memref_squeeze %dma_wait3A_448 : memref<1x200x128xi32, #tpu.memory_space<hbm>> -> memref<200x128xi32, #tpu.memory_space<hbm>>
      %dma_wait3A_450 = arith.constant 0 : i32
      %dma_wait3A_451 = tpu.memref_slice %dma_wait3A_449[%add3A_445, %dma_wait3A_450] : memref<200x128xi32, #tpu.memory_space<hbm>> -> memref<1x128xi32, #tpu.memory_space<hbm>>
      %dma_wait3A_452 = tpu.memref_squeeze %dma_wait3A_451 : memref<1x128xi32, #tpu.memory_space<hbm>> -> memref<128xi32, #tpu.memory_space<hbm>>
      %dma_wait3A_453 = arith.constant 0 : i32
      %dma_wait3A_454 = arith.constant 0 : i32
      %dma_wait3A_455 = tpu.memref_slice %arg4[%arg1, %dma_wait3A_453, %dma_wait3A_454] : memref<16x200x128xi32, #tpu.memory_space<hbm>> -> memref<1x200x128xi32, #tpu.memory_space<hbm>>
      %dma_wait3A_456 = tpu.memref_squeeze %dma_wait3A_455 : memref<1x200x128xi32, #tpu.memory_space<hbm>> -> memref<200x128xi32, #tpu.memory_space<hbm>>
      %dma_wait3A_457 = arith.constant 0 : i32
      %dma_wait3A_458 = tpu.memref_slice %dma_wait3A_456[%add3A_445, %dma_wait3A_457] : memref<200x128xi32, #tpu.memory_space<hbm>> -> memref<1x128xi32, #tpu.memory_space<hbm>>
      %dma_wait3A_459 = tpu.memref_squeeze %dma_wait3A_458 : memref<1x128xi32, #tpu.memory_space<hbm>> -> memref<128xi32, #tpu.memory_space<hbm>>
      tpu.wait_dma2 semaphore(%arg30 : memref<!tpu.dma_semaphore, #tpu.memory_space<semaphore_mem>>) src(%dma_wait3A_459 : memref<128xi32, #tpu.memory_space<hbm>>) dst(%arg20 : memref<128xi32, #tpu.memory_space<vmem>>)
      %add3A_460 = arith.constant 4 : i32
      %add3A_461 = arith.addi %add3A_13, %add3A_460 : i32
      %dma_wait3A_462 = arith.constant 0 : i32
      %dma_wait3A_463 = arith.constant 0 : i32
      %dma_wait3A_464 = tpu.memref_slice %arg3[%add3A, %dma_wait3A_462, %dma_wait3A_463] : memref<32x200x128xi32, #tpu.memory_space<hbm>> -> memref<1x200x128xi32, #tpu.memory_space<hbm>>
      %dma_wait3A_465 = tpu.memref_squeeze %dma_wait3A_464 : memref<1x200x128xi32, #tpu.memory_space<hbm>> -> memref<200x128xi32, #tpu.memory_space<hbm>>
      %dma_wait3A_466 = arith.constant 0 : i32
      %dma_wait3A_467 = tpu.memref_slice %dma_wait3A_465[%add3A_461, %dma_wait3A_466] : memref<200x128xi32, #tpu.memory_space<hbm>> -> memref<1x128xi32, #tpu.memory_space<hbm>>
      %dma_wait3A_468 = tpu.memref_squeeze %dma_wait3A_467 : memref<1x128xi32, #tpu.memory_space<hbm>> -> memref<128xi32, #tpu.memory_space<hbm>>
      %dma_wait3A_469 = arith.constant 0 : i32
      %dma_wait3A_470 = arith.constant 0 : i32
      %dma_wait3A_471 = tpu.memref_slice %arg3[%add3A, %dma_wait3A_469, %dma_wait3A_470] : memref<32x200x128xi32, #tpu.memory_space<hbm>> -> memref<1x200x128xi32, #tpu.memory_space<hbm>>
      %dma_wait3A_472 = tpu.memref_squeeze %dma_wait3A_471 : memref<1x200x128xi32, #tpu.memory_space<hbm>> -> memref<200x128xi32, #tpu.memory_space<hbm>>
      %dma_wait3A_473 = arith.constant 0 : i32
      %dma_wait3A_474 = tpu.memref_slice %dma_wait3A_472[%add3A_461, %dma_wait3A_473] : memref<200x128xi32, #tpu.memory_space<hbm>> -> memref<1x128xi32, #tpu.memory_space<hbm>>
      %dma_wait3A_475 = tpu.memref_squeeze %dma_wait3A_474 : memref<1x128xi32, #tpu.memory_space<hbm>> -> memref<128xi32, #tpu.memory_space<hbm>>
      tpu.wait_dma2 semaphore(%arg29 : memref<!tpu.dma_semaphore, #tpu.memory_space<semaphore_mem>>) src(%dma_wait3A_475 : memref<128xi32, #tpu.memory_space<hbm>>) dst(%arg11 : memref<128xi32, #tpu.memory_space<vmem>>)
      %add3A_476 = arith.constant 4 : i32
      %add3A_477 = arith.addi %add3A_13, %add3A_476 : i32
      %dma_wait3A_478 = arith.constant 0 : i32
      %dma_wait3A_479 = arith.constant 0 : i32
      %dma_wait3A_480 = tpu.memref_slice %arg4[%arg1, %dma_wait3A_478, %dma_wait3A_479] : memref<16x200x128xi32, #tpu.memory_space<hbm>> -> memref<1x200x128xi32, #tpu.memory_space<hbm>>
      %dma_wait3A_481 = tpu.memref_squeeze %dma_wait3A_480 : memref<1x200x128xi32, #tpu.memory_space<hbm>> -> memref<200x128xi32, #tpu.memory_space<hbm>>
      %dma_wait3A_482 = arith.constant 0 : i32
      %dma_wait3A_483 = tpu.memref_slice %dma_wait3A_481[%add3A_477, %dma_wait3A_482] : memref<200x128xi32, #tpu.memory_space<hbm>> -> memref<1x128xi32, #tpu.memory_space<hbm>>
      %dma_wait3A_484 = tpu.memref_squeeze %dma_wait3A_483 : memref<1x128xi32, #tpu.memory_space<hbm>> -> memref<128xi32, #tpu.memory_space<hbm>>
      %dma_wait3A_485 = arith.constant 0 : i32
      %dma_wait3A_486 = arith.constant 0 : i32
      %dma_wait3A_487 = tpu.memref_slice %arg4[%arg1, %dma_wait3A_485, %dma_wait3A_486] : memref<16x200x128xi32, #tpu.memory_space<hbm>> -> memref<1x200x128xi32, #tpu.memory_space<hbm>>
      %dma_wait3A_488 = tpu.memref_squeeze %dma_wait3A_487 : memref<1x200x128xi32, #tpu.memory_space<hbm>> -> memref<200x128xi32, #tpu.memory_space<hbm>>
      %dma_wait3A_489 = arith.constant 0 : i32
      %dma_wait3A_490 = tpu.memref_slice %dma_wait3A_488[%add3A_477, %dma_wait3A_489] : memref<200x128xi32, #tpu.memory_space<hbm>> -> memref<1x128xi32, #tpu.memory_space<hbm>>
      %dma_wait3A_491 = tpu.memref_squeeze %dma_wait3A_490 : memref<1x128xi32, #tpu.memory_space<hbm>> -> memref<128xi32, #tpu.memory_space<hbm>>
      tpu.wait_dma2 semaphore(%arg30 : memref<!tpu.dma_semaphore, #tpu.memory_space<semaphore_mem>>) src(%dma_wait3A_491 : memref<128xi32, #tpu.memory_space<hbm>>) dst(%arg21 : memref<128xi32, #tpu.memory_space<vmem>>)
      %add3A_492 = arith.constant 5 : i32
      %add3A_493 = arith.addi %add3A_13, %add3A_492 : i32
      %dma_wait3A_494 = arith.constant 0 : i32
      %dma_wait3A_495 = arith.constant 0 : i32
      %dma_wait3A_496 = tpu.memref_slice %arg3[%add3A, %dma_wait3A_494, %dma_wait3A_495] : memref<32x200x128xi32, #tpu.memory_space<hbm>> -> memref<1x200x128xi32, #tpu.memory_space<hbm>>
      %dma_wait3A_497 = tpu.memref_squeeze %dma_wait3A_496 : memref<1x200x128xi32, #tpu.memory_space<hbm>> -> memref<200x128xi32, #tpu.memory_space<hbm>>
      %dma_wait3A_498 = arith.constant 0 : i32
      %dma_wait3A_499 = tpu.memref_slice %dma_wait3A_497[%add3A_493, %dma_wait3A_498] : memref<200x128xi32, #tpu.memory_space<hbm>> -> memref<1x128xi32, #tpu.memory_space<hbm>>
      %dma_wait3A_500 = tpu.memref_squeeze %dma_wait3A_499 : memref<1x128xi32, #tpu.memory_space<hbm>> -> memref<128xi32, #tpu.memory_space<hbm>>
      %dma_wait3A_501 = arith.constant 0 : i32
      %dma_wait3A_502 = arith.constant 0 : i32
      %dma_wait3A_503 = tpu.memref_slice %arg3[%add3A, %dma_wait3A_501, %dma_wait3A_502] : memref<32x200x128xi32, #tpu.memory_space<hbm>> -> memref<1x200x128xi32, #tpu.memory_space<hbm>>
      %dma_wait3A_504 = tpu.memref_squeeze %dma_wait3A_503 : memref<1x200x128xi32, #tpu.memory_space<hbm>> -> memref<200x128xi32, #tpu.memory_space<hbm>>
      %dma_wait3A_505 = arith.constant 0 : i32
      %dma_wait3A_506 = tpu.memref_slice %dma_wait3A_504[%add3A_493, %dma_wait3A_505] : memref<200x128xi32, #tpu.memory_space<hbm>> -> memref<1x128xi32, #tpu.memory_space<hbm>>
      %dma_wait3A_507 = tpu.memref_squeeze %dma_wait3A_506 : memref<1x128xi32, #tpu.memory_space<hbm>> -> memref<128xi32, #tpu.memory_space<hbm>>
      tpu.wait_dma2 semaphore(%arg29 : memref<!tpu.dma_semaphore, #tpu.memory_space<semaphore_mem>>) src(%dma_wait3A_507 : memref<128xi32, #tpu.memory_space<hbm>>) dst(%arg12 : memref<128xi32, #tpu.memory_space<vmem>>)
      %add3A_508 = arith.constant 5 : i32
      %add3A_509 = arith.addi %add3A_13, %add3A_508 : i32
      %dma_wait3A_510 = arith.constant 0 : i32
      %dma_wait3A_511 = arith.constant 0 : i32
      %dma_wait3A_512 = tpu.memref_slice %arg4[%arg1, %dma_wait3A_510, %dma_wait3A_511] : memref<16x200x128xi32, #tpu.memory_space<hbm>> -> memref<1x200x128xi32, #tpu.memory_space<hbm>>
      %dma_wait3A_513 = tpu.memref_squeeze %dma_wait3A_512 : memref<1x200x128xi32, #tpu.memory_space<hbm>> -> memref<200x128xi32, #tpu.memory_space<hbm>>
      %dma_wait3A_514 = arith.constant 0 : i32
      %dma_wait3A_515 = tpu.memref_slice %dma_wait3A_513[%add3A_509, %dma_wait3A_514] : memref<200x128xi32, #tpu.memory_space<hbm>> -> memref<1x128xi32, #tpu.memory_space<hbm>>
      %dma_wait3A_516 = tpu.memref_squeeze %dma_wait3A_515 : memref<1x128xi32, #tpu.memory_space<hbm>> -> memref<128xi32, #tpu.memory_space<hbm>>
      %dma_wait3A_517 = arith.constant 0 : i32
      %dma_wait3A_518 = arith.constant 0 : i32
      %dma_wait3A_519 = tpu.memref_slice %arg4[%arg1, %dma_wait3A_517, %dma_wait3A_518] : memref<16x200x128xi32, #tpu.memory_space<hbm>> -> memref<1x200x128xi32, #tpu.memory_space<hbm>>
      %dma_wait3A_520 = tpu.memref_squeeze %dma_wait3A_519 : memref<1x200x128xi32, #tpu.memory_space<hbm>> -> memref<200x128xi32, #tpu.memory_space<hbm>>
      %dma_wait3A_521 = arith.constant 0 : i32
      %dma_wait3A_522 = tpu.memref_slice %dma_wait3A_520[%add3A_509, %dma_wait3A_521] : memref<200x128xi32, #tpu.memory_space<hbm>> -> memref<1x128xi32, #tpu.memory_space<hbm>>
      %dma_wait3A_523 = tpu.memref_squeeze %dma_wait3A_522 : memref<1x128xi32, #tpu.memory_space<hbm>> -> memref<128xi32, #tpu.memory_space<hbm>>
      tpu.wait_dma2 semaphore(%arg30 : memref<!tpu.dma_semaphore, #tpu.memory_space<semaphore_mem>>) src(%dma_wait3A_523 : memref<128xi32, #tpu.memory_space<hbm>>) dst(%arg22 : memref<128xi32, #tpu.memory_space<vmem>>)
      %add3A_524 = arith.constant 6 : i32
      %add3A_525 = arith.addi %add3A_13, %add3A_524 : i32
      %dma_wait3A_526 = arith.constant 0 : i32
      %dma_wait3A_527 = arith.constant 0 : i32
      %dma_wait3A_528 = tpu.memref_slice %arg3[%add3A, %dma_wait3A_526, %dma_wait3A_527] : memref<32x200x128xi32, #tpu.memory_space<hbm>> -> memref<1x200x128xi32, #tpu.memory_space<hbm>>
      %dma_wait3A_529 = tpu.memref_squeeze %dma_wait3A_528 : memref<1x200x128xi32, #tpu.memory_space<hbm>> -> memref<200x128xi32, #tpu.memory_space<hbm>>
      %dma_wait3A_530 = arith.constant 0 : i32
      %dma_wait3A_531 = tpu.memref_slice %dma_wait3A_529[%add3A_525, %dma_wait3A_530] : memref<200x128xi32, #tpu.memory_space<hbm>> -> memref<1x128xi32, #tpu.memory_space<hbm>>
      %dma_wait3A_532 = tpu.memref_squeeze %dma_wait3A_531 : memref<1x128xi32, #tpu.memory_space<hbm>> -> memref<128xi32, #tpu.memory_space<hbm>>
      %dma_wait3A_533 = arith.constant 0 : i32
      %dma_wait3A_534 = arith.constant 0 : i32
      %dma_wait3A_535 = tpu.memref_slice %arg3[%add3A, %dma_wait3A_533, %dma_wait3A_534] : memref<32x200x128xi32, #tpu.memory_space<hbm>> -> memref<1x200x128xi32, #tpu.memory_space<hbm>>
      %dma_wait3A_536 = tpu.memref_squeeze %dma_wait3A_535 : memref<1x200x128xi32, #tpu.memory_space<hbm>> -> memref<200x128xi32, #tpu.memory_space<hbm>>
      %dma_wait3A_537 = arith.constant 0 : i32
      %dma_wait3A_538 = tpu.memref_slice %dma_wait3A_536[%add3A_525, %dma_wait3A_537] : memref<200x128xi32, #tpu.memory_space<hbm>> -> memref<1x128xi32, #tpu.memory_space<hbm>>
      %dma_wait3A_539 = tpu.memref_squeeze %dma_wait3A_538 : memref<1x128xi32, #tpu.memory_space<hbm>> -> memref<128xi32, #tpu.memory_space<hbm>>
      tpu.wait_dma2 semaphore(%arg29 : memref<!tpu.dma_semaphore, #tpu.memory_space<semaphore_mem>>) src(%dma_wait3A_539 : memref<128xi32, #tpu.memory_space<hbm>>) dst(%arg13 : memref<128xi32, #tpu.memory_space<vmem>>)
      %add3A_540 = arith.constant 6 : i32
      %add3A_541 = arith.addi %add3A_13, %add3A_540 : i32
      %dma_wait3A_542 = arith.constant 0 : i32
      %dma_wait3A_543 = arith.constant 0 : i32
      %dma_wait3A_544 = tpu.memref_slice %arg4[%arg1, %dma_wait3A_542, %dma_wait3A_543] : memref<16x200x128xi32, #tpu.memory_space<hbm>> -> memref<1x200x128xi32, #tpu.memory_space<hbm>>
      %dma_wait3A_545 = tpu.memref_squeeze %dma_wait3A_544 : memref<1x200x128xi32, #tpu.memory_space<hbm>> -> memref<200x128xi32, #tpu.memory_space<hbm>>
      %dma_wait3A_546 = arith.constant 0 : i32
      %dma_wait3A_547 = tpu.memref_slice %dma_wait3A_545[%add3A_541, %dma_wait3A_546] : memref<200x128xi32, #tpu.memory_space<hbm>> -> memref<1x128xi32, #tpu.memory_space<hbm>>
      %dma_wait3A_548 = tpu.memref_squeeze %dma_wait3A_547 : memref<1x128xi32, #tpu.memory_space<hbm>> -> memref<128xi32, #tpu.memory_space<hbm>>
      %dma_wait3A_549 = arith.constant 0 : i32
      %dma_wait3A_550 = arith.constant 0 : i32
      %dma_wait3A_551 = tpu.memref_slice %arg4[%arg1, %dma_wait3A_549, %dma_wait3A_550] : memref<16x200x128xi32, #tpu.memory_space<hbm>> -> memref<1x200x128xi32, #tpu.memory_space<hbm>>
      %dma_wait3A_552 = tpu.memref_squeeze %dma_wait3A_551 : memref<1x200x128xi32, #tpu.memory_space<hbm>> -> memref<200x128xi32, #tpu.memory_space<hbm>>
      %dma_wait3A_553 = arith.constant 0 : i32
      %dma_wait3A_554 = tpu.memref_slice %dma_wait3A_552[%add3A_541, %dma_wait3A_553] : memref<200x128xi32, #tpu.memory_space<hbm>> -> memref<1x128xi32, #tpu.memory_space<hbm>>
      %dma_wait3A_555 = tpu.memref_squeeze %dma_wait3A_554 : memref<1x128xi32, #tpu.memory_space<hbm>> -> memref<128xi32, #tpu.memory_space<hbm>>
      tpu.wait_dma2 semaphore(%arg30 : memref<!tpu.dma_semaphore, #tpu.memory_space<semaphore_mem>>) src(%dma_wait3A_555 : memref<128xi32, #tpu.memory_space<hbm>>) dst(%arg23 : memref<128xi32, #tpu.memory_space<vmem>>)
      %add3A_556 = arith.constant 7 : i32
      %add3A_557 = arith.addi %add3A_13, %add3A_556 : i32
      %dma_wait3A_558 = arith.constant 0 : i32
      %dma_wait3A_559 = arith.constant 0 : i32
      %dma_wait3A_560 = tpu.memref_slice %arg3[%add3A, %dma_wait3A_558, %dma_wait3A_559] : memref<32x200x128xi32, #tpu.memory_space<hbm>> -> memref<1x200x128xi32, #tpu.memory_space<hbm>>
      %dma_wait3A_561 = tpu.memref_squeeze %dma_wait3A_560 : memref<1x200x128xi32, #tpu.memory_space<hbm>> -> memref<200x128xi32, #tpu.memory_space<hbm>>
      %dma_wait3A_562 = arith.constant 0 : i32
      %dma_wait3A_563 = tpu.memref_slice %dma_wait3A_561[%add3A_557, %dma_wait3A_562] : memref<200x128xi32, #tpu.memory_space<hbm>> -> memref<1x128xi32, #tpu.memory_space<hbm>>
      %dma_wait3A_564 = tpu.memref_squeeze %dma_wait3A_563 : memref<1x128xi32, #tpu.memory_space<hbm>> -> memref<128xi32, #tpu.memory_space<hbm>>
      %dma_wait3A_565 = arith.constant 0 : i32
      %dma_wait3A_566 = arith.constant 0 : i32
      %dma_wait3A_567 = tpu.memref_slice %arg3[%add3A, %dma_wait3A_565, %dma_wait3A_566] : memref<32x200x128xi32, #tpu.memory_space<hbm>> -> memref<1x200x128xi32, #tpu.memory_space<hbm>>
      %dma_wait3A_568 = tpu.memref_squeeze %dma_wait3A_567 : memref<1x200x128xi32, #tpu.memory_space<hbm>> -> memref<200x128xi32, #tpu.memory_space<hbm>>
      %dma_wait3A_569 = arith.constant 0 : i32
      %dma_wait3A_570 = tpu.memref_slice %dma_wait3A_568[%add3A_557, %dma_wait3A_569] : memref<200x128xi32, #tpu.memory_space<hbm>> -> memref<1x128xi32, #tpu.memory_space<hbm>>
      %dma_wait3A_571 = tpu.memref_squeeze %dma_wait3A_570 : memref<1x128xi32, #tpu.memory_space<hbm>> -> memref<128xi32, #tpu.memory_space<hbm>>
      tpu.wait_dma2 semaphore(%arg29 : memref<!tpu.dma_semaphore, #tpu.memory_space<semaphore_mem>>) src(%dma_wait3A_571 : memref<128xi32, #tpu.memory_space<hbm>>) dst(%arg14 : memref<128xi32, #tpu.memory_space<vmem>>)
      %add3A_572 = arith.constant 7 : i32
      %add3A_573 = arith.addi %add3A_13, %add3A_572 : i32
      %dma_wait3A_574 = arith.constant 0 : i32
      %dma_wait3A_575 = arith.constant 0 : i32
      %dma_wait3A_576 = tpu.memref_slice %arg4[%arg1, %dma_wait3A_574, %dma_wait3A_575] : memref<16x200x128xi32, #tpu.memory_space<hbm>> -> memref<1x200x128xi32, #tpu.memory_space<hbm>>
      %dma_wait3A_577 = tpu.memref_squeeze %dma_wait3A_576 : memref<1x200x128xi32, #tpu.memory_space<hbm>> -> memref<200x128xi32, #tpu.memory_space<hbm>>
      %dma_wait3A_578 = arith.constant 0 : i32
      %dma_wait3A_579 = tpu.memref_slice %dma_wait3A_577[%add3A_573, %dma_wait3A_578] : memref<200x128xi32, #tpu.memory_space<hbm>> -> memref<1x128xi32, #tpu.memory_space<hbm>>
      %dma_wait3A_580 = tpu.memref_squeeze %dma_wait3A_579 : memref<1x128xi32, #tpu.memory_space<hbm>> -> memref<128xi32, #tpu.memory_space<hbm>>
      %dma_wait3A_581 = arith.constant 0 : i32
      %dma_wait3A_582 = arith.constant 0 : i32
      %dma_wait3A_583 = tpu.memref_slice %arg4[%arg1, %dma_wait3A_581, %dma_wait3A_582] : memref<16x200x128xi32, #tpu.memory_space<hbm>> -> memref<1x200x128xi32, #tpu.memory_space<hbm>>
      %dma_wait3A_584 = tpu.memref_squeeze %dma_wait3A_583 : memref<1x200x128xi32, #tpu.memory_space<hbm>> -> memref<200x128xi32, #tpu.memory_space<hbm>>
      %dma_wait3A_585 = arith.constant 0 : i32
      %dma_wait3A_586 = tpu.memref_slice %dma_wait3A_584[%add3A_573, %dma_wait3A_585] : memref<200x128xi32, #tpu.memory_space<hbm>> -> memref<1x128xi32, #tpu.memory_space<hbm>>
      %dma_wait3A_587 = tpu.memref_squeeze %dma_wait3A_586 : memref<1x128xi32, #tpu.memory_space<hbm>> -> memref<128xi32, #tpu.memory_space<hbm>>
      tpu.wait_dma2 semaphore(%arg30 : memref<!tpu.dma_semaphore, #tpu.memory_space<semaphore_mem>>) src(%dma_wait3A_587 : memref<128xi32, #tpu.memory_space<hbm>>) dst(%arg24 : memref<128xi32, #tpu.memory_space<vmem>>)
      %add3A_588 = arith.constant 8 : i32
      %add3A_589 = arith.addi %add3A_13, %add3A_588 : i32
      %dma_wait3A_590 = arith.constant 0 : i32
      %dma_wait3A_591 = arith.constant 0 : i32
      %dma_wait3A_592 = tpu.memref_slice %arg3[%add3A, %dma_wait3A_590, %dma_wait3A_591] : memref<32x200x128xi32, #tpu.memory_space<hbm>> -> memref<1x200x128xi32, #tpu.memory_space<hbm>>
      %dma_wait3A_593 = tpu.memref_squeeze %dma_wait3A_592 : memref<1x200x128xi32, #tpu.memory_space<hbm>> -> memref<200x128xi32, #tpu.memory_space<hbm>>
      %dma_wait3A_594 = arith.constant 0 : i32
      %dma_wait3A_595 = tpu.memref_slice %dma_wait3A_593[%add3A_589, %dma_wait3A_594] : memref<200x128xi32, #tpu.memory_space<hbm>> -> memref<1x128xi32, #tpu.memory_space<hbm>>
      %dma_wait3A_596 = tpu.memref_squeeze %dma_wait3A_595 : memref<1x128xi32, #tpu.memory_space<hbm>> -> memref<128xi32, #tpu.memory_space<hbm>>
      %dma_wait3A_597 = arith.constant 0 : i32
      %dma_wait3A_598 = arith.constant 0 : i32
      %dma_wait3A_599 = tpu.memref_slice %arg3[%add3A, %dma_wait3A_597, %dma_wait3A_598] : memref<32x200x128xi32, #tpu.memory_space<hbm>> -> memref<1x200x128xi32, #tpu.memory_space<hbm>>
      %dma_wait3A_600 = tpu.memref_squeeze %dma_wait3A_599 : memref<1x200x128xi32, #tpu.memory_space<hbm>> -> memref<200x128xi32, #tpu.memory_space<hbm>>
      %dma_wait3A_601 = arith.constant 0 : i32
      %dma_wait3A_602 = tpu.memref_slice %dma_wait3A_600[%add3A_589, %dma_wait3A_601] : memref<200x128xi32, #tpu.memory_space<hbm>> -> memref<1x128xi32, #tpu.memory_space<hbm>>
      %dma_wait3A_603 = tpu.memref_squeeze %dma_wait3A_602 : memref<1x128xi32, #tpu.memory_space<hbm>> -> memref<128xi32, #tpu.memory_space<hbm>>
      tpu.wait_dma2 semaphore(%arg29 : memref<!tpu.dma_semaphore, #tpu.memory_space<semaphore_mem>>) src(%dma_wait3A_603 : memref<128xi32, #tpu.memory_space<hbm>>) dst(%arg15 : memref<128xi32, #tpu.memory_space<vmem>>)
      %add3A_604 = arith.constant 8 : i32
      %add3A_605 = arith.addi %add3A_13, %add3A_604 : i32
      %dma_wait3A_606 = arith.constant 0 : i32
      %dma_wait3A_607 = arith.constant 0 : i32
      %dma_wait3A_608 = tpu.memref_slice %arg4[%arg1, %dma_wait3A_606, %dma_wait3A_607] : memref<16x200x128xi32, #tpu.memory_space<hbm>> -> memref<1x200x128xi32, #tpu.memory_space<hbm>>
      %dma_wait3A_609 = tpu.memref_squeeze %dma_wait3A_608 : memref<1x200x128xi32, #tpu.memory_space<hbm>> -> memref<200x128xi32, #tpu.memory_space<hbm>>
      %dma_wait3A_610 = arith.constant 0 : i32
      %dma_wait3A_611 = tpu.memref_slice %dma_wait3A_609[%add3A_605, %dma_wait3A_610] : memref<200x128xi32, #tpu.memory_space<hbm>> -> memref<1x128xi32, #tpu.memory_space<hbm>>
      %dma_wait3A_612 = tpu.memref_squeeze %dma_wait3A_611 : memref<1x128xi32, #tpu.memory_space<hbm>> -> memref<128xi32, #tpu.memory_space<hbm>>
      %dma_wait3A_613 = arith.constant 0 : i32
      %dma_wait3A_614 = arith.constant 0 : i32
      %dma_wait3A_615 = tpu.memref_slice %arg4[%arg1, %dma_wait3A_613, %dma_wait3A_614] : memref<16x200x128xi32, #tpu.memory_space<hbm>> -> memref<1x200x128xi32, #tpu.memory_space<hbm>>
      %dma_wait3A_616 = tpu.memref_squeeze %dma_wait3A_615 : memref<1x200x128xi32, #tpu.memory_space<hbm>> -> memref<200x128xi32, #tpu.memory_space<hbm>>
      %dma_wait3A_617 = arith.constant 0 : i32
      %dma_wait3A_618 = tpu.memref_slice %dma_wait3A_616[%add3A_605, %dma_wait3A_617] : memref<200x128xi32, #tpu.memory_space<hbm>> -> memref<1x128xi32, #tpu.memory_space<hbm>>
      %dma_wait3A_619 = tpu.memref_squeeze %dma_wait3A_618 : memref<1x128xi32, #tpu.memory_space<hbm>> -> memref<128xi32, #tpu.memory_space<hbm>>
      tpu.wait_dma2 semaphore(%arg30 : memref<!tpu.dma_semaphore, #tpu.memory_space<semaphore_mem>>) src(%dma_wait3A_619 : memref<128xi32, #tpu.memory_space<hbm>>) dst(%arg25 : memref<128xi32, #tpu.memory_space<vmem>>)
      %add3A_620 = arith.constant 9 : i32
      %add3A_621 = arith.addi %add3A_13, %add3A_620 : i32
      %dma_wait3A_622 = arith.constant 0 : i32
      %dma_wait3A_623 = arith.constant 0 : i32
      %dma_wait3A_624 = tpu.memref_slice %arg3[%add3A, %dma_wait3A_622, %dma_wait3A_623] : memref<32x200x128xi32, #tpu.memory_space<hbm>> -> memref<1x200x128xi32, #tpu.memory_space<hbm>>
      %dma_wait3A_625 = tpu.memref_squeeze %dma_wait3A_624 : memref<1x200x128xi32, #tpu.memory_space<hbm>> -> memref<200x128xi32, #tpu.memory_space<hbm>>
      %dma_wait3A_626 = arith.constant 0 : i32
      %dma_wait3A_627 = tpu.memref_slice %dma_wait3A_625[%add3A_621, %dma_wait3A_626] : memref<200x128xi32, #tpu.memory_space<hbm>> -> memref<1x128xi32, #tpu.memory_space<hbm>>
      %dma_wait3A_628 = tpu.memref_squeeze %dma_wait3A_627 : memref<1x128xi32, #tpu.memory_space<hbm>> -> memref<128xi32, #tpu.memory_space<hbm>>
      %dma_wait3A_629 = arith.constant 0 : i32
      %dma_wait3A_630 = arith.constant 0 : i32
      %dma_wait3A_631 = tpu.memref_slice %arg3[%add3A, %dma_wait3A_629, %dma_wait3A_630] : memref<32x200x128xi32, #tpu.memory_space<hbm>> -> memref<1x200x128xi32, #tpu.memory_space<hbm>>
      %dma_wait3A_632 = tpu.memref_squeeze %dma_wait3A_631 : memref<1x200x128xi32, #tpu.memory_space<hbm>> -> memref<200x128xi32, #tpu.memory_space<hbm>>
      %dma_wait3A_633 = arith.constant 0 : i32
      %dma_wait3A_634 = tpu.memref_slice %dma_wait3A_632[%add3A_621, %dma_wait3A_633] : memref<200x128xi32, #tpu.memory_space<hbm>> -> memref<1x128xi32, #tpu.memory_space<hbm>>
      %dma_wait3A_635 = tpu.memref_squeeze %dma_wait3A_634 : memref<1x128xi32, #tpu.memory_space<hbm>> -> memref<128xi32, #tpu.memory_space<hbm>>
      tpu.wait_dma2 semaphore(%arg29 : memref<!tpu.dma_semaphore, #tpu.memory_space<semaphore_mem>>) src(%dma_wait3A_635 : memref<128xi32, #tpu.memory_space<hbm>>) dst(%arg16 : memref<128xi32, #tpu.memory_space<vmem>>)
      %add3A_636 = arith.constant 9 : i32
      %add3A_637 = arith.addi %add3A_13, %add3A_636 : i32
      %dma_wait3A_638 = arith.constant 0 : i32
      %dma_wait3A_639 = arith.constant 0 : i32
      %dma_wait3A_640 = tpu.memref_slice %arg4[%arg1, %dma_wait3A_638, %dma_wait3A_639] : memref<16x200x128xi32, #tpu.memory_space<hbm>> -> memref<1x200x128xi32, #tpu.memory_space<hbm>>
      %dma_wait3A_641 = tpu.memref_squeeze %dma_wait3A_640 : memref<1x200x128xi32, #tpu.memory_space<hbm>> -> memref<200x128xi32, #tpu.memory_space<hbm>>
      %dma_wait3A_642 = arith.constant 0 : i32
      %dma_wait3A_643 = tpu.memref_slice %dma_wait3A_641[%add3A_637, %dma_wait3A_642] : memref<200x128xi32, #tpu.memory_space<hbm>> -> memref<1x128xi32, #tpu.memory_space<hbm>>
      %dma_wait3A_644 = tpu.memref_squeeze %dma_wait3A_643 : memref<1x128xi32, #tpu.memory_space<hbm>> -> memref<128xi32, #tpu.memory_space<hbm>>
      %dma_wait3A_645 = arith.constant 0 : i32
      %dma_wait3A_646 = arith.constant 0 : i32
      %dma_wait3A_647 = tpu.memref_slice %arg4[%arg1, %dma_wait3A_645, %dma_wait3A_646] : memref<16x200x128xi32, #tpu.memory_space<hbm>> -> memref<1x200x128xi32, #tpu.memory_space<hbm>>
      %dma_wait3A_648 = tpu.memref_squeeze %dma_wait3A_647 : memref<1x200x128xi32, #tpu.memory_space<hbm>> -> memref<200x128xi32, #tpu.memory_space<hbm>>
      %dma_wait3A_649 = arith.constant 0 : i32
      %dma_wait3A_650 = tpu.memref_slice %dma_wait3A_648[%add3A_637, %dma_wait3A_649] : memref<200x128xi32, #tpu.memory_space<hbm>> -> memref<1x128xi32, #tpu.memory_space<hbm>>
      %dma_wait3A_651 = tpu.memref_squeeze %dma_wait3A_650 : memref<1x128xi32, #tpu.memory_space<hbm>> -> memref<128xi32, #tpu.memory_space<hbm>>
      tpu.wait_dma2 semaphore(%arg30 : memref<!tpu.dma_semaphore, #tpu.memory_space<semaphore_mem>>) src(%dma_wait3A_651 : memref<128xi32, #tpu.memory_space<hbm>>) dst(%arg26 : memref<128xi32, #tpu.memory_space<vmem>>)
      %dma_start3A_652 = arith.constant 0 : i32
      %dma_start3A_653 = arith.constant 0 : i32
      %dma_start3A_654 = arith.constant 0 : i32
      %dma_start3A_655 = tpu.memref_slice %arg27[%dma_start3A_652, %dma_start3A_653, %dma_start3A_654] : memref<10x128x64xf32, #tpu.memory_space<vmem>> -> memref<1x128x64xf32, #tpu.memory_space<vmem>>
      %dma_start3A_656 = tpu.memref_squeeze %dma_start3A_655 : memref<1x128x64xf32, #tpu.memory_space<vmem>> -> memref<128x64xf32, #tpu.memory_space<vmem>>
      %dma_start3A_657 = arith.constant 0 : i32
      %dma_start3A_658 = arith.constant 0 : i32
      %dma_start3A_659 = tpu.memref_slice %arg2[%dma_start3A_657, %dma_start3A_658] : memref<100000x64xf32, #tpu.memory_space<hbm>> -> memref<100000x64xf32, #tpu.memory_space<hbm>>
      tpu.enqueue_indirect_dma source(%dma_start3A_659 : memref<100000x64xf32, #tpu.memory_space<hbm>>) target(%dma_start3A_656 : memref<128x64xf32, #tpu.memory_space<vmem>>) offsets(%arg7 : memref<128xi32, #tpu.memory_space<vmem>>) semaphore(%arg31 : memref<!tpu.dma_semaphore, #tpu.memory_space<semaphore_mem>>)
      %dma_start3A_660 = arith.constant 1 : i32
      %dma_start3A_661 = arith.constant 0 : i32
      %dma_start3A_662 = arith.constant 0 : i32
      %dma_start3A_663 = tpu.memref_slice %arg27[%dma_start3A_660, %dma_start3A_661, %dma_start3A_662] : memref<10x128x64xf32, #tpu.memory_space<vmem>> -> memref<1x128x64xf32, #tpu.memory_space<vmem>>
      %dma_start3A_664 = tpu.memref_squeeze %dma_start3A_663 : memref<1x128x64xf32, #tpu.memory_space<vmem>> -> memref<128x64xf32, #tpu.memory_space<vmem>>
      %dma_start3A_665 = arith.constant 0 : i32
      %dma_start3A_666 = arith.constant 0 : i32
      %dma_start3A_667 = tpu.memref_slice %arg2[%dma_start3A_665, %dma_start3A_666] : memref<100000x64xf32, #tpu.memory_space<hbm>> -> memref<100000x64xf32, #tpu.memory_space<hbm>>
      tpu.enqueue_indirect_dma source(%dma_start3A_667 : memref<100000x64xf32, #tpu.memory_space<hbm>>) target(%dma_start3A_664 : memref<128x64xf32, #tpu.memory_space<vmem>>) offsets(%arg8 : memref<128xi32, #tpu.memory_space<vmem>>) semaphore(%arg32 : memref<!tpu.dma_semaphore, #tpu.memory_space<semaphore_mem>>)
      %dma_start3A_668 = arith.constant 2 : i32
      %dma_start3A_669 = arith.constant 0 : i32
      %dma_start3A_670 = arith.constant 0 : i32
      %dma_start3A_671 = tpu.memref_slice %arg27[%dma_start3A_668, %dma_start3A_669, %dma_start3A_670] : memref<10x128x64xf32, #tpu.memory_space<vmem>> -> memref<1x128x64xf32, #tpu.memory_space<vmem>>
      %dma_start3A_672 = tpu.memref_squeeze %dma_start3A_671 : memref<1x128x64xf32, #tpu.memory_space<vmem>> -> memref<128x64xf32, #tpu.memory_space<vmem>>
      %dma_start3A_673 = arith.constant 0 : i32
      %dma_start3A_674 = arith.constant 0 : i32
      %dma_start3A_675 = tpu.memref_slice %arg2[%dma_start3A_673, %dma_start3A_674] : memref<100000x64xf32, #tpu.memory_space<hbm>> -> memref<100000x64xf32, #tpu.memory_space<hbm>>
      tpu.enqueue_indirect_dma source(%dma_start3A_675 : memref<100000x64xf32, #tpu.memory_space<hbm>>) target(%dma_start3A_672 : memref<128x64xf32, #tpu.memory_space<vmem>>) offsets(%arg9 : memref<128xi32, #tpu.memory_space<vmem>>) semaphore(%arg33 : memref<!tpu.dma_semaphore, #tpu.memory_space<semaphore_mem>>)
      %dma_start3A_676 = arith.constant 3 : i32
      %dma_start3A_677 = arith.constant 0 : i32
      %dma_start3A_678 = arith.constant 0 : i32
      %dma_start3A_679 = tpu.memref_slice %arg27[%dma_start3A_676, %dma_start3A_677, %dma_start3A_678] : memref<10x128x64xf32, #tpu.memory_space<vmem>> -> memref<1x128x64xf32, #tpu.memory_space<vmem>>
      %dma_start3A_680 = tpu.memref_squeeze %dma_start3A_679 : memref<1x128x64xf32, #tpu.memory_space<vmem>> -> memref<128x64xf32, #tpu.memory_space<vmem>>
      %dma_start3A_681 = arith.constant 0 : i32
      %dma_start3A_682 = arith.constant 0 : i32
      %dma_start3A_683 = tpu.memref_slice %arg2[%dma_start3A_681, %dma_start3A_682] : memref<100000x64xf32, #tpu.memory_space<hbm>> -> memref<100000x64xf32, #tpu.memory_space<hbm>>
      tpu.enqueue_indirect_dma source(%dma_start3A_683 : memref<100000x64xf32, #tpu.memory_space<hbm>>) target(%dma_start3A_680 : memref<128x64xf32, #tpu.memory_space<vmem>>) offsets(%arg10 : memref<128xi32, #tpu.memory_space<vmem>>) semaphore(%arg34 : memref<!tpu.dma_semaphore, #tpu.memory_space<semaphore_mem>>)
      %dma_start3A_684 = arith.constant 4 : i32
      %dma_start3A_685 = arith.constant 0 : i32
      %dma_start3A_686 = arith.constant 0 : i32
      %dma_start3A_687 = tpu.memref_slice %arg27[%dma_start3A_684, %dma_start3A_685, %dma_start3A_686] : memref<10x128x64xf32, #tpu.memory_space<vmem>> -> memref<1x128x64xf32, #tpu.memory_space<vmem>>
      %dma_start3A_688 = tpu.memref_squeeze %dma_start3A_687 : memref<1x128x64xf32, #tpu.memory_space<vmem>> -> memref<128x64xf32, #tpu.memory_space<vmem>>
      %dma_start3A_689 = arith.constant 0 : i32
      %dma_start3A_690 = arith.constant 0 : i32
      %dma_start3A_691 = tpu.memref_slice %arg2[%dma_start3A_689, %dma_start3A_690] : memref<100000x64xf32, #tpu.memory_space<hbm>> -> memref<100000x64xf32, #tpu.memory_space<hbm>>
      tpu.enqueue_indirect_dma source(%dma_start3A_691 : memref<100000x64xf32, #tpu.memory_space<hbm>>) target(%dma_start3A_688 : memref<128x64xf32, #tpu.memory_space<vmem>>) offsets(%arg11 : memref<128xi32, #tpu.memory_space<vmem>>) semaphore(%arg35 : memref<!tpu.dma_semaphore, #tpu.memory_space<semaphore_mem>>)
      %dma_start3A_692 = arith.constant 5 : i32
      %dma_start3A_693 = arith.constant 0 : i32
      %dma_start3A_694 = arith.constant 0 : i32
      %dma_start3A_695 = tpu.memref_slice %arg27[%dma_start3A_692, %dma_start3A_693, %dma_start3A_694] : memref<10x128x64xf32, #tpu.memory_space<vmem>> -> memref<1x128x64xf32, #tpu.memory_space<vmem>>
      %dma_start3A_696 = tpu.memref_squeeze %dma_start3A_695 : memref<1x128x64xf32, #tpu.memory_space<vmem>> -> memref<128x64xf32, #tpu.memory_space<vmem>>
      %dma_start3A_697 = arith.constant 0 : i32
      %dma_start3A_698 = arith.constant 0 : i32
      %dma_start3A_699 = tpu.memref_slice %arg2[%dma_start3A_697, %dma_start3A_698] : memref<100000x64xf32, #tpu.memory_space<hbm>> -> memref<100000x64xf32, #tpu.memory_space<hbm>>
      tpu.enqueue_indirect_dma source(%dma_start3A_699 : memref<100000x64xf32, #tpu.memory_space<hbm>>) target(%dma_start3A_696 : memref<128x64xf32, #tpu.memory_space<vmem>>) offsets(%arg12 : memref<128xi32, #tpu.memory_space<vmem>>) semaphore(%arg36 : memref<!tpu.dma_semaphore, #tpu.memory_space<semaphore_mem>>)
      %dma_start3A_700 = arith.constant 6 : i32
      %dma_start3A_701 = arith.constant 0 : i32
      %dma_start3A_702 = arith.constant 0 : i32
      %dma_start3A_703 = tpu.memref_slice %arg27[%dma_start3A_700, %dma_start3A_701, %dma_start3A_702] : memref<10x128x64xf32, #tpu.memory_space<vmem>> -> memref<1x128x64xf32, #tpu.memory_space<vmem>>
      %dma_start3A_704 = tpu.memref_squeeze %dma_start3A_703 : memref<1x128x64xf32, #tpu.memory_space<vmem>> -> memref<128x64xf32, #tpu.memory_space<vmem>>
      %dma_start3A_705 = arith.constant 0 : i32
      %dma_start3A_706 = arith.constant 0 : i32
      %dma_start3A_707 = tpu.memref_slice %arg2[%dma_start3A_705, %dma_start3A_706] : memref<100000x64xf32, #tpu.memory_space<hbm>> -> memref<100000x64xf32, #tpu.memory_space<hbm>>
      tpu.enqueue_indirect_dma source(%dma_start3A_707 : memref<100000x64xf32, #tpu.memory_space<hbm>>) target(%dma_start3A_704 : memref<128x64xf32, #tpu.memory_space<vmem>>) offsets(%arg13 : memref<128xi32, #tpu.memory_space<vmem>>) semaphore(%arg37 : memref<!tpu.dma_semaphore, #tpu.memory_space<semaphore_mem>>)
      %dma_start3A_708 = arith.constant 7 : i32
      %dma_start3A_709 = arith.constant 0 : i32
      %dma_start3A_710 = arith.constant 0 : i32
      %dma_start3A_711 = tpu.memref_slice %arg27[%dma_start3A_708, %dma_start3A_709, %dma_start3A_710] : memref<10x128x64xf32, #tpu.memory_space<vmem>> -> memref<1x128x64xf32, #tpu.memory_space<vmem>>
      %dma_start3A_712 = tpu.memref_squeeze %dma_start3A_711 : memref<1x128x64xf32, #tpu.memory_space<vmem>> -> memref<128x64xf32, #tpu.memory_space<vmem>>
      %dma_start3A_713 = arith.constant 0 : i32
      %dma_start3A_714 = arith.constant 0 : i32
      %dma_start3A_715 = tpu.memref_slice %arg2[%dma_start3A_713, %dma_start3A_714] : memref<100000x64xf32, #tpu.memory_space<hbm>> -> memref<100000x64xf32, #tpu.memory_space<hbm>>
      tpu.enqueue_indirect_dma source(%dma_start3A_715 : memref<100000x64xf32, #tpu.memory_space<hbm>>) target(%dma_start3A_712 : memref<128x64xf32, #tpu.memory_space<vmem>>) offsets(%arg14 : memref<128xi32, #tpu.memory_space<vmem>>) semaphore(%arg38 : memref<!tpu.dma_semaphore, #tpu.memory_space<semaphore_mem>>)
      %dma_start3A_716 = arith.constant 8 : i32
      %dma_start3A_717 = arith.constant 0 : i32
      %dma_start3A_718 = arith.constant 0 : i32
      %dma_start3A_719 = tpu.memref_slice %arg27[%dma_start3A_716, %dma_start3A_717, %dma_start3A_718] : memref<10x128x64xf32, #tpu.memory_space<vmem>> -> memref<1x128x64xf32, #tpu.memory_space<vmem>>
      %dma_start3A_720 = tpu.memref_squeeze %dma_start3A_719 : memref<1x128x64xf32, #tpu.memory_space<vmem>> -> memref<128x64xf32, #tpu.memory_space<vmem>>
      %dma_start3A_721 = arith.constant 0 : i32
      %dma_start3A_722 = arith.constant 0 : i32
      %dma_start3A_723 = tpu.memref_slice %arg2[%dma_start3A_721, %dma_start3A_722] : memref<100000x64xf32, #tpu.memory_space<hbm>> -> memref<100000x64xf32, #tpu.memory_space<hbm>>
      tpu.enqueue_indirect_dma source(%dma_start3A_723 : memref<100000x64xf32, #tpu.memory_space<hbm>>) target(%dma_start3A_720 : memref<128x64xf32, #tpu.memory_space<vmem>>) offsets(%arg15 : memref<128xi32, #tpu.memory_space<vmem>>) semaphore(%arg39 : memref<!tpu.dma_semaphore, #tpu.memory_space<semaphore_mem>>)
      %dma_start3A_724 = arith.constant 9 : i32
      %dma_start3A_725 = arith.constant 0 : i32
      %dma_start3A_726 = arith.constant 0 : i32
      %dma_start3A_727 = tpu.memref_slice %arg27[%dma_start3A_724, %dma_start3A_725, %dma_start3A_726] : memref<10x128x64xf32, #tpu.memory_space<vmem>> -> memref<1x128x64xf32, #tpu.memory_space<vmem>>
      %dma_start3A_728 = tpu.memref_squeeze %dma_start3A_727 : memref<1x128x64xf32, #tpu.memory_space<vmem>> -> memref<128x64xf32, #tpu.memory_space<vmem>>
      %dma_start3A_729 = arith.constant 0 : i32
      %dma_start3A_730 = arith.constant 0 : i32
      %dma_start3A_731 = tpu.memref_slice %arg2[%dma_start3A_729, %dma_start3A_730] : memref<100000x64xf32, #tpu.memory_space<hbm>> -> memref<100000x64xf32, #tpu.memory_space<hbm>>
      tpu.enqueue_indirect_dma source(%dma_start3A_731 : memref<100000x64xf32, #tpu.memory_space<hbm>>) target(%dma_start3A_728 : memref<128x64xf32, #tpu.memory_space<vmem>>) offsets(%arg16 : memref<128xi32, #tpu.memory_space<vmem>>) semaphore(%arg40 : memref<!tpu.dma_semaphore, #tpu.memory_space<semaphore_mem>>)
      %dma_wait3A_732 = arith.constant 0 : i32
      %dma_wait3A_733 = arith.constant 0 : i32
      %dma_wait3A_734 = arith.constant 0 : i32
      %dma_wait3A_735 = tpu.memref_slice %arg27[%dma_wait3A_732, %dma_wait3A_733, %dma_wait3A_734] : memref<10x128x64xf32, #tpu.memory_space<vmem>> -> memref<1x128x64xf32, #tpu.memory_space<vmem>>
      %dma_wait3A_736 = tpu.memref_squeeze %dma_wait3A_735 : memref<1x128x64xf32, #tpu.memory_space<vmem>> -> memref<128x64xf32, #tpu.memory_space<vmem>>
      %dma_wait3A_737 = arith.constant 0 : i32
      %dma_wait3A_738 = arith.constant 0 : i32
      %dma_wait3A_739 = tpu.memref_slice %arg2[%dma_wait3A_737, %dma_wait3A_738] : memref<100000x64xf32, #tpu.memory_space<hbm>> -> memref<100000x64xf32, #tpu.memory_space<hbm>>
      tpu.wait_indirect_dma semaphore(%arg31 : memref<!tpu.dma_semaphore, #tpu.memory_space<semaphore_mem>>) src(%dma_wait3A_739 : memref<100000x64xf32, #tpu.memory_space<hbm>>) dst(%dma_wait3A_736 : memref<128x64xf32, #tpu.memory_space<vmem>>)
      %dma_wait3A_740 = arith.constant 1 : i32
      %dma_wait3A_741 = arith.constant 0 : i32
      %dma_wait3A_742 = arith.constant 0 : i32
      %dma_wait3A_743 = tpu.memref_slice %arg27[%dma_wait3A_740, %dma_wait3A_741, %dma_wait3A_742] : memref<10x128x64xf32, #tpu.memory_space<vmem>> -> memref<1x128x64xf32, #tpu.memory_space<vmem>>
      %dma_wait3A_744 = tpu.memref_squeeze %dma_wait3A_743 : memref<1x128x64xf32, #tpu.memory_space<vmem>> -> memref<128x64xf32, #tpu.memory_space<vmem>>
      %dma_wait3A_745 = arith.constant 0 : i32
      %dma_wait3A_746 = arith.constant 0 : i32
      %dma_wait3A_747 = tpu.memref_slice %arg2[%dma_wait3A_745, %dma_wait3A_746] : memref<100000x64xf32, #tpu.memory_space<hbm>> -> memref<100000x64xf32, #tpu.memory_space<hbm>>
      tpu.wait_indirect_dma semaphore(%arg32 : memref<!tpu.dma_semaphore, #tpu.memory_space<semaphore_mem>>) src(%dma_wait3A_747 : memref<100000x64xf32, #tpu.memory_space<hbm>>) dst(%dma_wait3A_744 : memref<128x64xf32, #tpu.memory_space<vmem>>)
      %dma_wait3A_748 = arith.constant 2 : i32
      %dma_wait3A_749 = arith.constant 0 : i32
      %dma_wait3A_750 = arith.constant 0 : i32
      %dma_wait3A_751 = tpu.memref_slice %arg27[%dma_wait3A_748, %dma_wait3A_749, %dma_wait3A_750] : memref<10x128x64xf32, #tpu.memory_space<vmem>> -> memref<1x128x64xf32, #tpu.memory_space<vmem>>
      %dma_wait3A_752 = tpu.memref_squeeze %dma_wait3A_751 : memref<1x128x64xf32, #tpu.memory_space<vmem>> -> memref<128x64xf32, #tpu.memory_space<vmem>>
      %dma_wait3A_753 = arith.constant 0 : i32
      %dma_wait3A_754 = arith.constant 0 : i32
      %dma_wait3A_755 = tpu.memref_slice %arg2[%dma_wait3A_753, %dma_wait3A_754] : memref<100000x64xf32, #tpu.memory_space<hbm>> -> memref<100000x64xf32, #tpu.memory_space<hbm>>
      tpu.wait_indirect_dma semaphore(%arg33 : memref<!tpu.dma_semaphore, #tpu.memory_space<semaphore_mem>>) src(%dma_wait3A_755 : memref<100000x64xf32, #tpu.memory_space<hbm>>) dst(%dma_wait3A_752 : memref<128x64xf32, #tpu.memory_space<vmem>>)
      %dma_wait3A_756 = arith.constant 3 : i32
      %dma_wait3A_757 = arith.constant 0 : i32
      %dma_wait3A_758 = arith.constant 0 : i32
      %dma_wait3A_759 = tpu.memref_slice %arg27[%dma_wait3A_756, %dma_wait3A_757, %dma_wait3A_758] : memref<10x128x64xf32, #tpu.memory_space<vmem>> -> memref<1x128x64xf32, #tpu.memory_space<vmem>>
      %dma_wait3A_760 = tpu.memref_squeeze %dma_wait3A_759 : memref<1x128x64xf32, #tpu.memory_space<vmem>> -> memref<128x64xf32, #tpu.memory_space<vmem>>
      %dma_wait3A_761 = arith.constant 0 : i32
      %dma_wait3A_762 = arith.constant 0 : i32
      %dma_wait3A_763 = tpu.memref_slice %arg2[%dma_wait3A_761, %dma_wait3A_762] : memref<100000x64xf32, #tpu.memory_space<hbm>> -> memref<100000x64xf32, #tpu.memory_space<hbm>>
      tpu.wait_indirect_dma semaphore(%arg34 : memref<!tpu.dma_semaphore, #tpu.memory_space<semaphore_mem>>) src(%dma_wait3A_763 : memref<100000x64xf32, #tpu.memory_space<hbm>>) dst(%dma_wait3A_760 : memref<128x64xf32, #tpu.memory_space<vmem>>)
      %dma_wait3A_764 = arith.constant 4 : i32
      %dma_wait3A_765 = arith.constant 0 : i32
      %dma_wait3A_766 = arith.constant 0 : i32
      %dma_wait3A_767 = tpu.memref_slice %arg27[%dma_wait3A_764, %dma_wait3A_765, %dma_wait3A_766] : memref<10x128x64xf32, #tpu.memory_space<vmem>> -> memref<1x128x64xf32, #tpu.memory_space<vmem>>
      %dma_wait3A_768 = tpu.memref_squeeze %dma_wait3A_767 : memref<1x128x64xf32, #tpu.memory_space<vmem>> -> memref<128x64xf32, #tpu.memory_space<vmem>>
      %dma_wait3A_769 = arith.constant 0 : i32
      %dma_wait3A_770 = arith.constant 0 : i32
      %dma_wait3A_771 = tpu.memref_slice %arg2[%dma_wait3A_769, %dma_wait3A_770] : memref<100000x64xf32, #tpu.memory_space<hbm>> -> memref<100000x64xf32, #tpu.memory_space<hbm>>
      tpu.wait_indirect_dma semaphore(%arg35 : memref<!tpu.dma_semaphore, #tpu.memory_space<semaphore_mem>>) src(%dma_wait3A_771 : memref<100000x64xf32, #tpu.memory_space<hbm>>) dst(%dma_wait3A_768 : memref<128x64xf32, #tpu.memory_space<vmem>>)
      %dma_wait3A_772 = arith.constant 5 : i32
      %dma_wait3A_773 = arith.constant 0 : i32
      %dma_wait3A_774 = arith.constant 0 : i32
      %dma_wait3A_775 = tpu.memref_slice %arg27[%dma_wait3A_772, %dma_wait3A_773, %dma_wait3A_774] : memref<10x128x64xf32, #tpu.memory_space<vmem>> -> memref<1x128x64xf32, #tpu.memory_space<vmem>>
      %dma_wait3A_776 = tpu.memref_squeeze %dma_wait3A_775 : memref<1x128x64xf32, #tpu.memory_space<vmem>> -> memref<128x64xf32, #tpu.memory_space<vmem>>
      %dma_wait3A_777 = arith.constant 0 : i32
      %dma_wait3A_778 = arith.constant 0 : i32
      %dma_wait3A_779 = tpu.memref_slice %arg2[%dma_wait3A_777, %dma_wait3A_778] : memref<100000x64xf32, #tpu.memory_space<hbm>> -> memref<100000x64xf32, #tpu.memory_space<hbm>>
      tpu.wait_indirect_dma semaphore(%arg36 : memref<!tpu.dma_semaphore, #tpu.memory_space<semaphore_mem>>) src(%dma_wait3A_779 : memref<100000x64xf32, #tpu.memory_space<hbm>>) dst(%dma_wait3A_776 : memref<128x64xf32, #tpu.memory_space<vmem>>)
      %dma_wait3A_780 = arith.constant 6 : i32
      %dma_wait3A_781 = arith.constant 0 : i32
      %dma_wait3A_782 = arith.constant 0 : i32
      %dma_wait3A_783 = tpu.memref_slice %arg27[%dma_wait3A_780, %dma_wait3A_781, %dma_wait3A_782] : memref<10x128x64xf32, #tpu.memory_space<vmem>> -> memref<1x128x64xf32, #tpu.memory_space<vmem>>
      %dma_wait3A_784 = tpu.memref_squeeze %dma_wait3A_783 : memref<1x128x64xf32, #tpu.memory_space<vmem>> -> memref<128x64xf32, #tpu.memory_space<vmem>>
      %dma_wait3A_785 = arith.constant 0 : i32
      %dma_wait3A_786 = arith.constant 0 : i32
      %dma_wait3A_787 = tpu.memref_slice %arg2[%dma_wait3A_785, %dma_wait3A_786] : memref<100000x64xf32, #tpu.memory_space<hbm>> -> memref<100000x64xf32, #tpu.memory_space<hbm>>
      tpu.wait_indirect_dma semaphore(%arg37 : memref<!tpu.dma_semaphore, #tpu.memory_space<semaphore_mem>>) src(%dma_wait3A_787 : memref<100000x64xf32, #tpu.memory_space<hbm>>) dst(%dma_wait3A_784 : memref<128x64xf32, #tpu.memory_space<vmem>>)
      %dma_wait3A_788 = arith.constant 7 : i32
      %dma_wait3A_789 = arith.constant 0 : i32
      %dma_wait3A_790 = arith.constant 0 : i32
      %dma_wait3A_791 = tpu.memref_slice %arg27[%dma_wait3A_788, %dma_wait3A_789, %dma_wait3A_790] : memref<10x128x64xf32, #tpu.memory_space<vmem>> -> memref<1x128x64xf32, #tpu.memory_space<vmem>>
      %dma_wait3A_792 = tpu.memref_squeeze %dma_wait3A_791 : memref<1x128x64xf32, #tpu.memory_space<vmem>> -> memref<128x64xf32, #tpu.memory_space<vmem>>
      %dma_wait3A_793 = arith.constant 0 : i32
      %dma_wait3A_794 = arith.constant 0 : i32
      %dma_wait3A_795 = tpu.memref_slice %arg2[%dma_wait3A_793, %dma_wait3A_794] : memref<100000x64xf32, #tpu.memory_space<hbm>> -> memref<100000x64xf32, #tpu.memory_space<hbm>>
      tpu.wait_indirect_dma semaphore(%arg38 : memref<!tpu.dma_semaphore, #tpu.memory_space<semaphore_mem>>) src(%dma_wait3A_795 : memref<100000x64xf32, #tpu.memory_space<hbm>>) dst(%dma_wait3A_792 : memref<128x64xf32, #tpu.memory_space<vmem>>)
      %dma_wait3A_796 = arith.constant 8 : i32
      %dma_wait3A_797 = arith.constant 0 : i32
      %dma_wait3A_798 = arith.constant 0 : i32
      %dma_wait3A_799 = tpu.memref_slice %arg27[%dma_wait3A_796, %dma_wait3A_797, %dma_wait3A_798] : memref<10x128x64xf32, #tpu.memory_space<vmem>> -> memref<1x128x64xf32, #tpu.memory_space<vmem>>
      %dma_wait3A_800 = tpu.memref_squeeze %dma_wait3A_799 : memref<1x128x64xf32, #tpu.memory_space<vmem>> -> memref<128x64xf32, #tpu.memory_space<vmem>>
      %dma_wait3A_801 = arith.constant 0 : i32
      %dma_wait3A_802 = arith.constant 0 : i32
      %dma_wait3A_803 = tpu.memref_slice %arg2[%dma_wait3A_801, %dma_wait3A_802] : memref<100000x64xf32, #tpu.memory_space<hbm>> -> memref<100000x64xf32, #tpu.memory_space<hbm>>
      tpu.wait_indirect_dma semaphore(%arg39 : memref<!tpu.dma_semaphore, #tpu.memory_space<semaphore_mem>>) src(%dma_wait3A_803 : memref<100000x64xf32, #tpu.memory_space<hbm>>) dst(%dma_wait3A_800 : memref<128x64xf32, #tpu.memory_space<vmem>>)
      %dma_wait3A_804 = arith.constant 9 : i32
      %dma_wait3A_805 = arith.constant 0 : i32
      %dma_wait3A_806 = arith.constant 0 : i32
      %dma_wait3A_807 = tpu.memref_slice %arg27[%dma_wait3A_804, %dma_wait3A_805, %dma_wait3A_806] : memref<10x128x64xf32, #tpu.memory_space<vmem>> -> memref<1x128x64xf32, #tpu.memory_space<vmem>>
      %dma_wait3A_808 = tpu.memref_squeeze %dma_wait3A_807 : memref<1x128x64xf32, #tpu.memory_space<vmem>> -> memref<128x64xf32, #tpu.memory_space<vmem>>
      %dma_wait3A_809 = arith.constant 0 : i32
      %dma_wait3A_810 = arith.constant 0 : i32
      %dma_wait3A_811 = tpu.memref_slice %arg2[%dma_wait3A_809, %dma_wait3A_810] : memref<100000x64xf32, #tpu.memory_space<hbm>> -> memref<100000x64xf32, #tpu.memory_space<hbm>>
      tpu.wait_indirect_dma semaphore(%arg40 : memref<!tpu.dma_semaphore, #tpu.memory_space<semaphore_mem>>) src(%dma_wait3A_811 : memref<100000x64xf32, #tpu.memory_space<hbm>>) dst(%dma_wait3A_808 : memref<128x64xf32, #tpu.memory_space<vmem>>)
      %dma_start3A_812 = arith.constant 0 : i32
      %dma_start3A_813 = arith.constant 0 : i32
      %dma_start3A_814 = arith.constant 0 : i32
      %dma_start3A_815 = tpu.memref_slice %arg27[%dma_start3A_812, %dma_start3A_813, %dma_start3A_814] : memref<10x128x64xf32, #tpu.memory_space<vmem>> -> memref<1x128x64xf32, #tpu.memory_space<vmem>>
      %dma_start3A_816 = tpu.memref_squeeze %dma_start3A_815 : memref<1x128x64xf32, #tpu.memory_space<vmem>> -> memref<128x64xf32, #tpu.memory_space<vmem>>
      %dma_start3A_817 = arith.constant 0 : i32
      %dma_start3A_818 = arith.constant 0 : i32
      %dma_start3A_819 = tpu.memref_slice %arg28[%dma_start3A_817, %dma_start3A_818] : memref<2048x64xf32, #tpu.memory_space<vmem_shared>> -> memref<2048x64xf32, #tpu.memory_space<vmem_shared>>
      tpu.enqueue_indirect_dma source(%dma_start3A_816 : memref<128x64xf32, #tpu.memory_space<vmem>>) target(%dma_start3A_819 : memref<2048x64xf32, #tpu.memory_space<vmem_shared>>) offsets(%arg17 : memref<128xi32, #tpu.memory_space<vmem>>) semaphore(%arg41 : memref<!tpu.dma_semaphore, #tpu.memory_space<semaphore_mem>>) {add = true}
      %dma_wait3A_820 = arith.constant 0 : i32
      %dma_wait3A_821 = arith.constant 0 : i32
      %dma_wait3A_822 = arith.constant 0 : i32
      %dma_wait3A_823 = tpu.memref_slice %arg27[%dma_wait3A_820, %dma_wait3A_821, %dma_wait3A_822] : memref<10x128x64xf32, #tpu.memory_space<vmem>> -> memref<1x128x64xf32, #tpu.memory_space<vmem>>
      %dma_wait3A_824 = tpu.memref_squeeze %dma_wait3A_823 : memref<1x128x64xf32, #tpu.memory_space<vmem>> -> memref<128x64xf32, #tpu.memory_space<vmem>>
      %dma_wait3A_825 = arith.constant 0 : i32
      %dma_wait3A_826 = arith.constant 0 : i32
      %dma_wait3A_827 = tpu.memref_slice %arg28[%dma_wait3A_825, %dma_wait3A_826] : memref<2048x64xf32, #tpu.memory_space<vmem_shared>> -> memref<2048x64xf32, #tpu.memory_space<vmem_shared>>
      tpu.wait_indirect_dma semaphore(%arg41 : memref<!tpu.dma_semaphore, #tpu.memory_space<semaphore_mem>>) src(%dma_wait3A_824 : memref<128x64xf32, #tpu.memory_space<vmem>>) dst(%dma_wait3A_827 : memref<2048x64xf32, #tpu.memory_space<vmem_shared>>)
      %dma_start3A_828 = arith.constant 1 : i32
      %dma_start3A_829 = arith.constant 0 : i32
      %dma_start3A_830 = arith.constant 0 : i32
      %dma_start3A_831 = tpu.memref_slice %arg27[%dma_start3A_828, %dma_start3A_829, %dma_start3A_830] : memref<10x128x64xf32, #tpu.memory_space<vmem>> -> memref<1x128x64xf32, #tpu.memory_space<vmem>>
      %dma_start3A_832 = tpu.memref_squeeze %dma_start3A_831 : memref<1x128x64xf32, #tpu.memory_space<vmem>> -> memref<128x64xf32, #tpu.memory_space<vmem>>
      %dma_start3A_833 = arith.constant 0 : i32
      %dma_start3A_834 = arith.constant 0 : i32
      %dma_start3A_835 = tpu.memref_slice %arg28[%dma_start3A_833, %dma_start3A_834] : memref<2048x64xf32, #tpu.memory_space<vmem_shared>> -> memref<2048x64xf32, #tpu.memory_space<vmem_shared>>
      tpu.enqueue_indirect_dma source(%dma_start3A_832 : memref<128x64xf32, #tpu.memory_space<vmem>>) target(%dma_start3A_835 : memref<2048x64xf32, #tpu.memory_space<vmem_shared>>) offsets(%arg18 : memref<128xi32, #tpu.memory_space<vmem>>) semaphore(%arg41 : memref<!tpu.dma_semaphore, #tpu.memory_space<semaphore_mem>>) {add = true}
      %dma_wait3A_836 = arith.constant 1 : i32
      %dma_wait3A_837 = arith.constant 0 : i32
      %dma_wait3A_838 = arith.constant 0 : i32
      %dma_wait3A_839 = tpu.memref_slice %arg27[%dma_wait3A_836, %dma_wait3A_837, %dma_wait3A_838] : memref<10x128x64xf32, #tpu.memory_space<vmem>> -> memref<1x128x64xf32, #tpu.memory_space<vmem>>
      %dma_wait3A_840 = tpu.memref_squeeze %dma_wait3A_839 : memref<1x128x64xf32, #tpu.memory_space<vmem>> -> memref<128x64xf32, #tpu.memory_space<vmem>>
      %dma_wait3A_841 = arith.constant 0 : i32
      %dma_wait3A_842 = arith.constant 0 : i32
      %dma_wait3A_843 = tpu.memref_slice %arg28[%dma_wait3A_841, %dma_wait3A_842] : memref<2048x64xf32, #tpu.memory_space<vmem_shared>> -> memref<2048x64xf32, #tpu.memory_space<vmem_shared>>
      tpu.wait_indirect_dma semaphore(%arg41 : memref<!tpu.dma_semaphore, #tpu.memory_space<semaphore_mem>>) src(%dma_wait3A_840 : memref<128x64xf32, #tpu.memory_space<vmem>>) dst(%dma_wait3A_843 : memref<2048x64xf32, #tpu.memory_space<vmem_shared>>)
      %dma_start3A_844 = arith.constant 2 : i32
      %dma_start3A_845 = arith.constant 0 : i32
      %dma_start3A_846 = arith.constant 0 : i32
      %dma_start3A_847 = tpu.memref_slice %arg27[%dma_start3A_844, %dma_start3A_845, %dma_start3A_846] : memref<10x128x64xf32, #tpu.memory_space<vmem>> -> memref<1x128x64xf32, #tpu.memory_space<vmem>>
      %dma_start3A_848 = tpu.memref_squeeze %dma_start3A_847 : memref<1x128x64xf32, #tpu.memory_space<vmem>> -> memref<128x64xf32, #tpu.memory_space<vmem>>
      %dma_start3A_849 = arith.constant 0 : i32
      %dma_start3A_850 = arith.constant 0 : i32
      %dma_start3A_851 = tpu.memref_slice %arg28[%dma_start3A_849, %dma_start3A_850] : memref<2048x64xf32, #tpu.memory_space<vmem_shared>> -> memref<2048x64xf32, #tpu.memory_space<vmem_shared>>
      tpu.enqueue_indirect_dma source(%dma_start3A_848 : memref<128x64xf32, #tpu.memory_space<vmem>>) target(%dma_start3A_851 : memref<2048x64xf32, #tpu.memory_space<vmem_shared>>) offsets(%arg19 : memref<128xi32, #tpu.memory_space<vmem>>) semaphore(%arg41 : memref<!tpu.dma_semaphore, #tpu.memory_space<semaphore_mem>>) {add = true}
      %dma_wait3A_852 = arith.constant 2 : i32
      %dma_wait3A_853 = arith.constant 0 : i32
      %dma_wait3A_854 = arith.constant 0 : i32
      %dma_wait3A_855 = tpu.memref_slice %arg27[%dma_wait3A_852, %dma_wait3A_853, %dma_wait3A_854] : memref<10x128x64xf32, #tpu.memory_space<vmem>> -> memref<1x128x64xf32, #tpu.memory_space<vmem>>
      %dma_wait3A_856 = tpu.memref_squeeze %dma_wait3A_855 : memref<1x128x64xf32, #tpu.memory_space<vmem>> -> memref<128x64xf32, #tpu.memory_space<vmem>>
      %dma_wait3A_857 = arith.constant 0 : i32
      %dma_wait3A_858 = arith.constant 0 : i32
      %dma_wait3A_859 = tpu.memref_slice %arg28[%dma_wait3A_857, %dma_wait3A_858] : memref<2048x64xf32, #tpu.memory_space<vmem_shared>> -> memref<2048x64xf32, #tpu.memory_space<vmem_shared>>
      tpu.wait_indirect_dma semaphore(%arg41 : memref<!tpu.dma_semaphore, #tpu.memory_space<semaphore_mem>>) src(%dma_wait3A_856 : memref<128x64xf32, #tpu.memory_space<vmem>>) dst(%dma_wait3A_859 : memref<2048x64xf32, #tpu.memory_space<vmem_shared>>)
      %dma_start3A_860 = arith.constant 3 : i32
      %dma_start3A_861 = arith.constant 0 : i32
      %dma_start3A_862 = arith.constant 0 : i32
      %dma_start3A_863 = tpu.memref_slice %arg27[%dma_start3A_860, %dma_start3A_861, %dma_start3A_862] : memref<10x128x64xf32, #tpu.memory_space<vmem>> -> memref<1x128x64xf32, #tpu.memory_space<vmem>>
      %dma_start3A_864 = tpu.memref_squeeze %dma_start3A_863 : memref<1x128x64xf32, #tpu.memory_space<vmem>> -> memref<128x64xf32, #tpu.memory_space<vmem>>
      %dma_start3A_865 = arith.constant 0 : i32
      %dma_start3A_866 = arith.constant 0 : i32
      %dma_start3A_867 = tpu.memref_slice %arg28[%dma_start3A_865, %dma_start3A_866] : memref<2048x64xf32, #tpu.memory_space<vmem_shared>> -> memref<2048x64xf32, #tpu.memory_space<vmem_shared>>
      tpu.enqueue_indirect_dma source(%dma_start3A_864 : memref<128x64xf32, #tpu.memory_space<vmem>>) target(%dma_start3A_867 : memref<2048x64xf32, #tpu.memory_space<vmem_shared>>) offsets(%arg20 : memref<128xi32, #tpu.memory_space<vmem>>) semaphore(%arg41 : memref<!tpu.dma_semaphore, #tpu.memory_space<semaphore_mem>>) {add = true}
      %dma_wait3A_868 = arith.constant 3 : i32
      %dma_wait3A_869 = arith.constant 0 : i32
      %dma_wait3A_870 = arith.constant 0 : i32
      %dma_wait3A_871 = tpu.memref_slice %arg27[%dma_wait3A_868, %dma_wait3A_869, %dma_wait3A_870] : memref<10x128x64xf32, #tpu.memory_space<vmem>> -> memref<1x128x64xf32, #tpu.memory_space<vmem>>
      %dma_wait3A_872 = tpu.memref_squeeze %dma_wait3A_871 : memref<1x128x64xf32, #tpu.memory_space<vmem>> -> memref<128x64xf32, #tpu.memory_space<vmem>>
      %dma_wait3A_873 = arith.constant 0 : i32
      %dma_wait3A_874 = arith.constant 0 : i32
      %dma_wait3A_875 = tpu.memref_slice %arg28[%dma_wait3A_873, %dma_wait3A_874] : memref<2048x64xf32, #tpu.memory_space<vmem_shared>> -> memref<2048x64xf32, #tpu.memory_space<vmem_shared>>
      tpu.wait_indirect_dma semaphore(%arg41 : memref<!tpu.dma_semaphore, #tpu.memory_space<semaphore_mem>>) src(%dma_wait3A_872 : memref<128x64xf32, #tpu.memory_space<vmem>>) dst(%dma_wait3A_875 : memref<2048x64xf32, #tpu.memory_space<vmem_shared>>)
      %dma_start3A_876 = arith.constant 4 : i32
      %dma_start3A_877 = arith.constant 0 : i32
      %dma_start3A_878 = arith.constant 0 : i32
      %dma_start3A_879 = tpu.memref_slice %arg27[%dma_start3A_876, %dma_start3A_877, %dma_start3A_878] : memref<10x128x64xf32, #tpu.memory_space<vmem>> -> memref<1x128x64xf32, #tpu.memory_space<vmem>>
      %dma_start3A_880 = tpu.memref_squeeze %dma_start3A_879 : memref<1x128x64xf32, #tpu.memory_space<vmem>> -> memref<128x64xf32, #tpu.memory_space<vmem>>
      %dma_start3A_881 = arith.constant 0 : i32
      %dma_start3A_882 = arith.constant 0 : i32
      %dma_start3A_883 = tpu.memref_slice %arg28[%dma_start3A_881, %dma_start3A_882] : memref<2048x64xf32, #tpu.memory_space<vmem_shared>> -> memref<2048x64xf32, #tpu.memory_space<vmem_shared>>
      tpu.enqueue_indirect_dma source(%dma_start3A_880 : memref<128x64xf32, #tpu.memory_space<vmem>>) target(%dma_start3A_883 : memref<2048x64xf32, #tpu.memory_space<vmem_shared>>) offsets(%arg21 : memref<128xi32, #tpu.memory_space<vmem>>) semaphore(%arg41 : memref<!tpu.dma_semaphore, #tpu.memory_space<semaphore_mem>>) {add = true}
      %dma_wait3A_884 = arith.constant 4 : i32
      %dma_wait3A_885 = arith.constant 0 : i32
      %dma_wait3A_886 = arith.constant 0 : i32
      %dma_wait3A_887 = tpu.memref_slice %arg27[%dma_wait3A_884, %dma_wait3A_885, %dma_wait3A_886] : memref<10x128x64xf32, #tpu.memory_space<vmem>> -> memref<1x128x64xf32, #tpu.memory_space<vmem>>
      %dma_wait3A_888 = tpu.memref_squeeze %dma_wait3A_887 : memref<1x128x64xf32, #tpu.memory_space<vmem>> -> memref<128x64xf32, #tpu.memory_space<vmem>>
      %dma_wait3A_889 = arith.constant 0 : i32
      %dma_wait3A_890 = arith.constant 0 : i32
      %dma_wait3A_891 = tpu.memref_slice %arg28[%dma_wait3A_889, %dma_wait3A_890] : memref<2048x64xf32, #tpu.memory_space<vmem_shared>> -> memref<2048x64xf32, #tpu.memory_space<vmem_shared>>
      tpu.wait_indirect_dma semaphore(%arg41 : memref<!tpu.dma_semaphore, #tpu.memory_space<semaphore_mem>>) src(%dma_wait3A_888 : memref<128x64xf32, #tpu.memory_space<vmem>>) dst(%dma_wait3A_891 : memref<2048x64xf32, #tpu.memory_space<vmem_shared>>)
      %dma_start3A_892 = arith.constant 5 : i32
      %dma_start3A_893 = arith.constant 0 : i32
      %dma_start3A_894 = arith.constant 0 : i32
      %dma_start3A_895 = tpu.memref_slice %arg27[%dma_start3A_892, %dma_start3A_893, %dma_start3A_894] : memref<10x128x64xf32, #tpu.memory_space<vmem>> -> memref<1x128x64xf32, #tpu.memory_space<vmem>>
      %dma_start3A_896 = tpu.memref_squeeze %dma_start3A_895 : memref<1x128x64xf32, #tpu.memory_space<vmem>> -> memref<128x64xf32, #tpu.memory_space<vmem>>
      %dma_start3A_897 = arith.constant 0 : i32
      %dma_start3A_898 = arith.constant 0 : i32
      %dma_start3A_899 = tpu.memref_slice %arg28[%dma_start3A_897, %dma_start3A_898] : memref<2048x64xf32, #tpu.memory_space<vmem_shared>> -> memref<2048x64xf32, #tpu.memory_space<vmem_shared>>
      tpu.enqueue_indirect_dma source(%dma_start3A_896 : memref<128x64xf32, #tpu.memory_space<vmem>>) target(%dma_start3A_899 : memref<2048x64xf32, #tpu.memory_space<vmem_shared>>) offsets(%arg22 : memref<128xi32, #tpu.memory_space<vmem>>) semaphore(%arg41 : memref<!tpu.dma_semaphore, #tpu.memory_space<semaphore_mem>>) {add = true}
      %dma_wait3A_900 = arith.constant 5 : i32
      %dma_wait3A_901 = arith.constant 0 : i32
      %dma_wait3A_902 = arith.constant 0 : i32
      %dma_wait3A_903 = tpu.memref_slice %arg27[%dma_wait3A_900, %dma_wait3A_901, %dma_wait3A_902] : memref<10x128x64xf32, #tpu.memory_space<vmem>> -> memref<1x128x64xf32, #tpu.memory_space<vmem>>
      %dma_wait3A_904 = tpu.memref_squeeze %dma_wait3A_903 : memref<1x128x64xf32, #tpu.memory_space<vmem>> -> memref<128x64xf32, #tpu.memory_space<vmem>>
      %dma_wait3A_905 = arith.constant 0 : i32
      %dma_wait3A_906 = arith.constant 0 : i32
      %dma_wait3A_907 = tpu.memref_slice %arg28[%dma_wait3A_905, %dma_wait3A_906] : memref<2048x64xf32, #tpu.memory_space<vmem_shared>> -> memref<2048x64xf32, #tpu.memory_space<vmem_shared>>
      tpu.wait_indirect_dma semaphore(%arg41 : memref<!tpu.dma_semaphore, #tpu.memory_space<semaphore_mem>>) src(%dma_wait3A_904 : memref<128x64xf32, #tpu.memory_space<vmem>>) dst(%dma_wait3A_907 : memref<2048x64xf32, #tpu.memory_space<vmem_shared>>)
      %dma_start3A_908 = arith.constant 6 : i32
      %dma_start3A_909 = arith.constant 0 : i32
      %dma_start3A_910 = arith.constant 0 : i32
      %dma_start3A_911 = tpu.memref_slice %arg27[%dma_start3A_908, %dma_start3A_909, %dma_start3A_910] : memref<10x128x64xf32, #tpu.memory_space<vmem>> -> memref<1x128x64xf32, #tpu.memory_space<vmem>>
      %dma_start3A_912 = tpu.memref_squeeze %dma_start3A_911 : memref<1x128x64xf32, #tpu.memory_space<vmem>> -> memref<128x64xf32, #tpu.memory_space<vmem>>
      %dma_start3A_913 = arith.constant 0 : i32
      %dma_start3A_914 = arith.constant 0 : i32
      %dma_start3A_915 = tpu.memref_slice %arg28[%dma_start3A_913, %dma_start3A_914] : memref<2048x64xf32, #tpu.memory_space<vmem_shared>> -> memref<2048x64xf32, #tpu.memory_space<vmem_shared>>
      tpu.enqueue_indirect_dma source(%dma_start3A_912 : memref<128x64xf32, #tpu.memory_space<vmem>>) target(%dma_start3A_915 : memref<2048x64xf32, #tpu.memory_space<vmem_shared>>) offsets(%arg23 : memref<128xi32, #tpu.memory_space<vmem>>) semaphore(%arg41 : memref<!tpu.dma_semaphore, #tpu.memory_space<semaphore_mem>>) {add = true}
      %dma_wait3A_916 = arith.constant 6 : i32
      %dma_wait3A_917 = arith.constant 0 : i32
      %dma_wait3A_918 = arith.constant 0 : i32
      %dma_wait3A_919 = tpu.memref_slice %arg27[%dma_wait3A_916, %dma_wait3A_917, %dma_wait3A_918] : memref<10x128x64xf32, #tpu.memory_space<vmem>> -> memref<1x128x64xf32, #tpu.memory_space<vmem>>
      %dma_wait3A_920 = tpu.memref_squeeze %dma_wait3A_919 : memref<1x128x64xf32, #tpu.memory_space<vmem>> -> memref<128x64xf32, #tpu.memory_space<vmem>>
      %dma_wait3A_921 = arith.constant 0 : i32
      %dma_wait3A_922 = arith.constant 0 : i32
      %dma_wait3A_923 = tpu.memref_slice %arg28[%dma_wait3A_921, %dma_wait3A_922] : memref<2048x64xf32, #tpu.memory_space<vmem_shared>> -> memref<2048x64xf32, #tpu.memory_space<vmem_shared>>
      tpu.wait_indirect_dma semaphore(%arg41 : memref<!tpu.dma_semaphore, #tpu.memory_space<semaphore_mem>>) src(%dma_wait3A_920 : memref<128x64xf32, #tpu.memory_space<vmem>>) dst(%dma_wait3A_923 : memref<2048x64xf32, #tpu.memory_space<vmem_shared>>)
      %dma_start3A_924 = arith.constant 7 : i32
      %dma_start3A_925 = arith.constant 0 : i32
      %dma_start3A_926 = arith.constant 0 : i32
      %dma_start3A_927 = tpu.memref_slice %arg27[%dma_start3A_924, %dma_start3A_925, %dma_start3A_926] : memref<10x128x64xf32, #tpu.memory_space<vmem>> -> memref<1x128x64xf32, #tpu.memory_space<vmem>>
      %dma_start3A_928 = tpu.memref_squeeze %dma_start3A_927 : memref<1x128x64xf32, #tpu.memory_space<vmem>> -> memref<128x64xf32, #tpu.memory_space<vmem>>
      %dma_start3A_929 = arith.constant 0 : i32
      %dma_start3A_930 = arith.constant 0 : i32
      %dma_start3A_931 = tpu.memref_slice %arg28[%dma_start3A_929, %dma_start3A_930] : memref<2048x64xf32, #tpu.memory_space<vmem_shared>> -> memref<2048x64xf32, #tpu.memory_space<vmem_shared>>
      tpu.enqueue_indirect_dma source(%dma_start3A_928 : memref<128x64xf32, #tpu.memory_space<vmem>>) target(%dma_start3A_931 : memref<2048x64xf32, #tpu.memory_space<vmem_shared>>) offsets(%arg24 : memref<128xi32, #tpu.memory_space<vmem>>) semaphore(%arg41 : memref<!tpu.dma_semaphore, #tpu.memory_space<semaphore_mem>>) {add = true}
      %dma_wait3A_932 = arith.constant 7 : i32
      %dma_wait3A_933 = arith.constant 0 : i32
      %dma_wait3A_934 = arith.constant 0 : i32
      %dma_wait3A_935 = tpu.memref_slice %arg27[%dma_wait3A_932, %dma_wait3A_933, %dma_wait3A_934] : memref<10x128x64xf32, #tpu.memory_space<vmem>> -> memref<1x128x64xf32, #tpu.memory_space<vmem>>
      %dma_wait3A_936 = tpu.memref_squeeze %dma_wait3A_935 : memref<1x128x64xf32, #tpu.memory_space<vmem>> -> memref<128x64xf32, #tpu.memory_space<vmem>>
      %dma_wait3A_937 = arith.constant 0 : i32
      %dma_wait3A_938 = arith.constant 0 : i32
      %dma_wait3A_939 = tpu.memref_slice %arg28[%dma_wait3A_937, %dma_wait3A_938] : memref<2048x64xf32, #tpu.memory_space<vmem_shared>> -> memref<2048x64xf32, #tpu.memory_space<vmem_shared>>
      tpu.wait_indirect_dma semaphore(%arg41 : memref<!tpu.dma_semaphore, #tpu.memory_space<semaphore_mem>>) src(%dma_wait3A_936 : memref<128x64xf32, #tpu.memory_space<vmem>>) dst(%dma_wait3A_939 : memref<2048x64xf32, #tpu.memory_space<vmem_shared>>)
      %dma_start3A_940 = arith.constant 8 : i32
      %dma_start3A_941 = arith.constant 0 : i32
      %dma_start3A_942 = arith.constant 0 : i32
      %dma_start3A_943 = tpu.memref_slice %arg27[%dma_start3A_940, %dma_start3A_941, %dma_start3A_942] : memref<10x128x64xf32, #tpu.memory_space<vmem>> -> memref<1x128x64xf32, #tpu.memory_space<vmem>>
      %dma_start3A_944 = tpu.memref_squeeze %dma_start3A_943 : memref<1x128x64xf32, #tpu.memory_space<vmem>> -> memref<128x64xf32, #tpu.memory_space<vmem>>
      %dma_start3A_945 = arith.constant 0 : i32
      %dma_start3A_946 = arith.constant 0 : i32
      %dma_start3A_947 = tpu.memref_slice %arg28[%dma_start3A_945, %dma_start3A_946] : memref<2048x64xf32, #tpu.memory_space<vmem_shared>> -> memref<2048x64xf32, #tpu.memory_space<vmem_shared>>
      tpu.enqueue_indirect_dma source(%dma_start3A_944 : memref<128x64xf32, #tpu.memory_space<vmem>>) target(%dma_start3A_947 : memref<2048x64xf32, #tpu.memory_space<vmem_shared>>) offsets(%arg25 : memref<128xi32, #tpu.memory_space<vmem>>) semaphore(%arg41 : memref<!tpu.dma_semaphore, #tpu.memory_space<semaphore_mem>>) {add = true}
      %dma_wait3A_948 = arith.constant 8 : i32
      %dma_wait3A_949 = arith.constant 0 : i32
      %dma_wait3A_950 = arith.constant 0 : i32
      %dma_wait3A_951 = tpu.memref_slice %arg27[%dma_wait3A_948, %dma_wait3A_949, %dma_wait3A_950] : memref<10x128x64xf32, #tpu.memory_space<vmem>> -> memref<1x128x64xf32, #tpu.memory_space<vmem>>
      %dma_wait3A_952 = tpu.memref_squeeze %dma_wait3A_951 : memref<1x128x64xf32, #tpu.memory_space<vmem>> -> memref<128x64xf32, #tpu.memory_space<vmem>>
      %dma_wait3A_953 = arith.constant 0 : i32
      %dma_wait3A_954 = arith.constant 0 : i32
      %dma_wait3A_955 = tpu.memref_slice %arg28[%dma_wait3A_953, %dma_wait3A_954] : memref<2048x64xf32, #tpu.memory_space<vmem_shared>> -> memref<2048x64xf32, #tpu.memory_space<vmem_shared>>
      tpu.wait_indirect_dma semaphore(%arg41 : memref<!tpu.dma_semaphore, #tpu.memory_space<semaphore_mem>>) src(%dma_wait3A_952 : memref<128x64xf32, #tpu.memory_space<vmem>>) dst(%dma_wait3A_955 : memref<2048x64xf32, #tpu.memory_space<vmem_shared>>)
      %dma_start3A_956 = arith.constant 9 : i32
      %dma_start3A_957 = arith.constant 0 : i32
      %dma_start3A_958 = arith.constant 0 : i32
      %dma_start3A_959 = tpu.memref_slice %arg27[%dma_start3A_956, %dma_start3A_957, %dma_start3A_958] : memref<10x128x64xf32, #tpu.memory_space<vmem>> -> memref<1x128x64xf32, #tpu.memory_space<vmem>>
      %dma_start3A_960 = tpu.memref_squeeze %dma_start3A_959 : memref<1x128x64xf32, #tpu.memory_space<vmem>> -> memref<128x64xf32, #tpu.memory_space<vmem>>
      %dma_start3A_961 = arith.constant 0 : i32
      %dma_start3A_962 = arith.constant 0 : i32
      %dma_start3A_963 = tpu.memref_slice %arg28[%dma_start3A_961, %dma_start3A_962] : memref<2048x64xf32, #tpu.memory_space<vmem_shared>> -> memref<2048x64xf32, #tpu.memory_space<vmem_shared>>
      tpu.enqueue_indirect_dma source(%dma_start3A_960 : memref<128x64xf32, #tpu.memory_space<vmem>>) target(%dma_start3A_963 : memref<2048x64xf32, #tpu.memory_space<vmem_shared>>) offsets(%arg26 : memref<128xi32, #tpu.memory_space<vmem>>) semaphore(%arg41 : memref<!tpu.dma_semaphore, #tpu.memory_space<semaphore_mem>>) {add = true}
      %dma_wait3A_964 = arith.constant 9 : i32
      %dma_wait3A_965 = arith.constant 0 : i32
      %dma_wait3A_966 = arith.constant 0 : i32
      %dma_wait3A_967 = tpu.memref_slice %arg27[%dma_wait3A_964, %dma_wait3A_965, %dma_wait3A_966] : memref<10x128x64xf32, #tpu.memory_space<vmem>> -> memref<1x128x64xf32, #tpu.memory_space<vmem>>
      %dma_wait3A_968 = tpu.memref_squeeze %dma_wait3A_967 : memref<1x128x64xf32, #tpu.memory_space<vmem>> -> memref<128x64xf32, #tpu.memory_space<vmem>>
      %dma_wait3A_969 = arith.constant 0 : i32
      %dma_wait3A_970 = arith.constant 0 : i32
      %dma_wait3A_971 = tpu.memref_slice %arg28[%dma_wait3A_969, %dma_wait3A_970] : memref<2048x64xf32, #tpu.memory_space<vmem_shared>> -> memref<2048x64xf32, #tpu.memory_space<vmem_shared>>
      tpu.wait_indirect_dma semaphore(%arg41 : memref<!tpu.dma_semaphore, #tpu.memory_space<semaphore_mem>>) src(%dma_wait3A_968 : memref<128x64xf32, #tpu.memory_space<vmem>>) dst(%dma_wait3A_971 : memref<2048x64xf32, #tpu.memory_space<vmem_shared>>)
    }
    %scan3A_8 = arith.constant 20 : i32
    "tpu.region"() ({
      %run_scoped3A = tpu.sem_alloc : memref<!tpu.dma_semaphore, #tpu.memory_space<semaphore_mem>>
      %dma_start3A = arith.constant 0 : i32
      %dma_start3A_9 = tpu.memref_slice %arg6[%mul3A_2, %dma_start3A] : memref<4096x64xf32, #tpu.memory_space<hbm>> -> memref<128x64xf32, #tpu.memory_space<hbm>>
      %dma_start3A_10 = arith.constant 0 : i32
      %dma_start3A_11 = tpu.memref_slice %arg28[%mul3A_4, %dma_start3A_10] : memref<2048x64xf32, #tpu.memory_space<vmem_shared>> -> memref<128x64xf32, #tpu.memory_space<vmem_shared>>
      tpu.enqueue_dma source(%dma_start3A_11 : memref<128x64xf32, #tpu.memory_space<vmem_shared>>) target(%dma_start3A_9 : memref<128x64xf32, #tpu.memory_space<hbm>>) target_semaphore(%run_scoped3A : memref<!tpu.dma_semaphore, #tpu.memory_space<semaphore_mem>>)
      %dma_wait3A = arith.constant 0 : i32
      %dma_wait3A_12 = tpu.memref_slice %arg6[%mul3A_2, %dma_wait3A] : memref<4096x64xf32, #tpu.memory_space<hbm>> -> memref<128x64xf32, #tpu.memory_space<hbm>>
      %dma_wait3A_13 = arith.constant 0 : i32
      %dma_wait3A_14 = tpu.memref_slice %arg28[%mul3A_4, %dma_wait3A_13] : memref<2048x64xf32, #tpu.memory_space<vmem_shared>> -> memref<128x64xf32, #tpu.memory_space<vmem_shared>>
      tpu.wait_dma2 semaphore(%run_scoped3A : memref<!tpu.dma_semaphore, #tpu.memory_space<semaphore_mem>>) src(%dma_wait3A_14 : memref<128x64xf32, #tpu.memory_space<vmem_shared>>) dst(%dma_wait3A_12 : memref<128x64xf32, #tpu.memory_space<hbm>>)
      tpu.yield
    }) : () -> ()
    return
  }
}

</mosaic_0001>

<sc_bundles>
// kernel: _pool.3.cloned.1.call-start
scs
__scs_entry_jumppad:
0x0: {  	(pc) =	sbr.rel $0x88, $3  }
0x1: {  	(tag) =	ssettag $0x0;
	lr =	simm.s32 $0x1  }
0x2: {  	[smem:$0x3F9D] =	sst lr;
	_ =	strace $0xD0000000  }
0x3: {  	_ = 	snop  }
0x4: {  	_ = 	snop  }
0x5: {  	_ = 	snop  }
0x6: {  	_ = 	snop  }
0x7: {  	_ = 	snop  }
__scs_overlays_trampoline_lowered:
0x8: {  	[smem:$0x3FAC] =	sst s0  }
0x9: {  	[smem:$0x3FAD] =	sst s1  }
0xa: {  	[smem:$0x3FAE] =	sst s2  }
0xb: {  	[smem:$0x3FAF] =	sst s3  }
0xc: {  	[smem:$0x3FB0] =	sst s4  }
0xd: {  	[smem:$0x3FB1] =	sst s5  }
0xe: {  	[smem:$0x3FB2] =	sst s6  }
0xf: {  	[smem:$0x3FB3] =	sst s7  }
0x10: {  	[smem:$0x3FB4] =	sst s8  }
0x11: {  	[smem:$0x3FB5] =	sst s9;
	s0 =	simm.s32 @!p0 $0x0  }
0x12: {  	s1 =	sld [smem:$0x3F9B];
	s0 =	simm.s32 @p0 $0x1  }
0x13: {  	[smem:$0x3FB6] =	sst s0;
	s0 =	simm.s32 @!p1 $0x0  }
0x14: {  	s2 =	sld [smem:$0x3F9A];
	s0 =	simm.s32 @p1 $0x1  }
0x15: {  	[smem:$0x3FB7] =	sst s0;
	s0 =	simm.s32 @!p2 $0x0  }
0x16: {  	s3 =	sld [smem:$0x3FDB];
	s0 =	simm.s32 @p2 $0x1  }
0x17: {  	s4 =	simm.s32 $0x1BF5;
	[smem:$0x3FB9] =	sst s0  }
0x18: {  	s0 =	sld [smem:$0x3F9C];
	_ =	swait.ge [sflag:s4], $0x0  }
0x19: {  	s7 =	sld [smem:$0x3F9D]  }
0x1a: {  	s8 =	sadd.s32 $0xFFFFE003, lr  }
0x1b: {  	s9 =	sadd.s32 $0xFFFFFEF7, lr;
	s5 =	simm.s32 $0xFFFFFFFF;
	p2 =	slt.u32 s8, $0xFFFFF086  }
0x1c: {  	p1 =	slt.u32 s9, $0xF7A;
	s5 =	simm.s32 @!p2 $0x0  }
0x1d: {  	s5 =	simm.s32 @p1 $0x1;
	p0 =	seq.s32 s7, s2  }
0x1e: {  	s7 =	smul.u32 @!p0 $0xF7A, s2;
	p2 =	seq.s32 @!p0 s5, $0x0  }
0x1f: {  	s9 =	smul.u32 $0xF7A, s1;
	s8 =	simm.s32 @!p0 $0x1BF5;
	p2 =	por !p2, p0  }
0x20: {  	[sflag:s8] =	ssyncset.s32 @!p0 $0xFFFFF086;
	s6 =	sadd.s32 @!p0 s3, s7;
	s7 =	simm.s32 @!p0 $0x108  }
0x21: {  	s3 =	sadd.s32 s3, s9;
	s6 =	sadd.s32 @!p0 $0x88, s6;
	s7 =	simm.s32 @p2 $0x1082  }
0x22: {  	[simem:s7], [sflag:s8] =	dma.local @!p0 [hbm:s6], $0xF7A  }
0x23: {  	s9 =	sor.u32 $0xD0000000, s2;
	s6 =	simm.s32 $0x108;
	_ =	swait.ge @!p0 [sflag:s8], $0x0  }
0x24: {  	s3 =	sadd.s32 $0x88, s3;
	s6 =	simm.s32 @!p1 $0x1082;
	[sflag:s4] =	ssyncset.s32 $0xFFFFF086  }
0x25: {  	[simem:s6], [sflag:s4] =	dma.local [hbm:s3], $0xF7A  }
0x26: {  	[smem:$0x3F9D] =	sst s1;
	(tag) =	ssettag s2;
	_ =	strace s9  }
0x27: {  	s1 =	sld [smem:$0x3FAD]  }
0x28: {  	s2 =	sld [smem:$0x3FAE]  }
0x29: {  	s4 =	sld [smem:$0x3FB0]  }
0x2a: {  	p0 =	seq.s32 s5, $0x0;
	s5 =	sld [smem:$0x3FB1]  }
0x2b: {  	s6 =	sld [smem:$0x3FB2]  }
0x2c: {  	s7 =	sld [smem:$0x3FB3]  }
0x2d: {  	s3 =	simm.s32 $0x108;
	s8 =	sld [smem:$0x3FB4]  }
0x2e: {  	s3 =	simm.s32 @!p0 $0x1082;
	s9 =	sld [smem:$0x3FB5]  }
0x2f: {  	lr =	sadd.s32 s0, s3;
	s0 =	sld [smem:$0x3FAC]  }
0x30: {  	s3 =	sld [smem:$0x3FAF]  }
0x31: {  	[smem:$0x3FB8] =	sst s10  }
0x32: {  	s10 =	sld [smem:$0x3FB6];
	_ =	sdelay $0x3  }
0x33: {  	p0 =	seq.s32 s10, $0x1;
	s10 =	sld [smem:$0x3FB8];
	_ =	sdelay $0x3  }
0x34: {  	[smem:$0x3FB8] =	sst s10  }
0x35: {  	s10 =	sld [smem:$0x3FB7];
	_ =	sdelay $0x3  }
0x36: {  	p1 =	seq.s32 s10, $0x1;
	s10 =	sld [smem:$0x3FB8];
	_ =	sdelay $0x3  }
0x37: {  	[smem:$0x3FB8] =	sst s10  }
0x38: {  	s10 =	sld [smem:$0x3FB9]  }
0x39: {  	_ = 	snop;
	(pc) =	sbr.ind lr, $3  }
0x3a: {  	_ = 	snop  }
0x3b: {  	_ = 	snop  }
0x3c: {  	p2 =	seq.s32 s10, $0x1;
	s10 =	sld [smem:$0x3FB8]  }
0x3d: {  	_ =	shalt  }
0x3e: {  	_ =	shalt  }
0x3f: {  	_ =	shalt  }
0x40: {  	_ =	shalt  }
0x41: {  	_ =	shalt  }
0x42: {  	_ =	shalt  }
0x43: {  	_ =	shalt  }
0x44: {  	_ =	shalt  }
0x45: {  	_ =	shalt  }
0x46: {  	_ =	shalt  }
0x47: {  	_ =	shalt  }
0x48: {  	_ =	shalt  }
0x49: {  	_ =	shalt  }
0x4a: {  	_ =	shalt  }
0x4b: {  	_ =	shalt  }
0x4c: {  	_ =	shalt  }
0x4d: {  	_ =	shalt  }
0x4e: {  	_ =	shalt  }
0x4f: {  	_ =	shalt  }
0x50: {  	_ =	shalt  }
0x51: {  	_ =	shalt  }
0x52: {  	_ =	shalt  }
0x53: {  	_ =	shalt  }
0x54: {  	_ =	shalt  }
0x55: {  	_ =	shalt  }
0x56: {  	_ =	shalt  }
0x57: {  	_ =	shalt  }
0x58: {  	_ =	shalt  }
0x59: {  	_ =	shalt  }
0x5a: {  	_ =	shalt  }
0x5b: {  	_ =	shalt  }
0x5c: {  	_ =	shalt  }
0x5d: {  	_ =	shalt  }
0x5e: {  	_ =	shalt  }
0x5f: {  	_ =	shalt  }
0x60: {  	_ =	shalt  }
0x61: {  	_ =	shalt  }
0x62: {  	_ =	shalt  }
0x63: {  	_ =	shalt  }
0x64: {  	_ =	shalt  }
0x65: {  	_ =	shalt  }
0x66: {  	_ =	shalt  }
0x67: {  	_ =	shalt  }
0x68: {  	_ =	shalt  }
0x69: {  	_ =	shalt  }
0x6a: {  	_ =	shalt  }
0x6b: {  	_ =	shalt  }
0x6c: {  	_ =	shalt  }
0x6d: {  	_ =	shalt  }
0x6e: {  	_ =	shalt  }
0x6f: {  	_ =	shalt  }
0x70: {  	_ =	shalt  }
0x71: {  	_ =	shalt  }
0x72: {  	_ =	shalt  }
0x73: {  	_ =	shalt  }
0x74: {  	_ =	shalt  }
0x75: {  	_ =	shalt  }
0x76: {  	_ =	shalt  }
0x77: {  	_ =	shalt  }
0x78: {  	_ =	shalt  }
0x79: {  	_ =	shalt  }
0x7a: {  	_ =	shalt  }
0x7b: {  	_ =	shalt  }
0x7c: {  	_ =	shalt  }
0x7d: {  	_ =	shalt  }
0x7e: {  	_ =	shalt  }
0x7f: {  	_ =	shalt  }
0x80: {  	_ =	shalt  }
0x81: {  	_ =	shalt  }
0x82: {  	_ =	shalt  }
0x83: {  	_ =	shalt  }
0x84: {  	_ =	shalt  }
0x85: {  	_ =	shalt  }
0x86: {  	_ =	shalt  }
0x87: {  	_ =	shalt  }
.Lfunc_end0:
.L_simem_size_0:
called_computation_lowered:
.L_overlay_start_0:
0x88: {  	s2 =	sld [smem:$0x3FD9]  }
0x89: {  	s3 =	sld [smem:$0x3FFE];
	_ =	sdelay $0x1  }
0x8a: {  	s1 =	srdreg.scid  }
0x8b: {  	s0 =	sand.u32 $0x1, s1  }
0x8c: {  	s17 =	sshll.u32 s0, $0xA;
	s2 =	sadd.s32 s3, s2  }
0x8d: {  	s2 =	sadd.s32 s2, s17  }
0x8e: {  	[smem:$0x3FC4] =	sst s2  }
0x8f: {  	_ = 	snop  }
0x90: {  	s2 =	sld [smem:$0x3FC8]  }
0x91: {  	s18 =	sld [smem:$0x3FC7]  }
0x92: {  	s4 =	sld [smem:$0x3FD0];
	(tm) =	ssettm $0x1  }
0x93: {  	s5 =	sld [smem:$0x3FFB];
	_ =	sdelay $0x3  }
0x94: {  	_ =	strace s5  }
0x95: {  	s5 =	sld [smem:$0x3FFC];
	_ =	sdelay $0x3  }
0x96: {  	_ =	strace s5  }
0x97: {  	s5 =	sld [smem:$0x3FFD];
	_ =	sdelay $0x3  }
0x98: {  	_ =	strace s5  }
0x99: {  	_ =	strace $0x8FFFFFFF  }
0x9a: {  	s19 =	sld [smem:$0x3FDB];
	_ =	sdelay $0x1  }
0x9b: {  	s6 =	simm.s32 $_scs_section_size  }
0x9c: {  	s7 =	simm.s32 $_size__tile_overlayer_lowered;
	s8 =	simm.s32 $_tile_overlayer_lowered  }
0x9d: {  	s22 =	simm.s32 $0x1BFF;
	s21 =	sshll.u32 s8, $0x1;
	s5 =	sadd.s32 s6, s19  }
0x9e: {  	s9 =	simm.s32 $0x0;
	s20 =	sshll.u32 s7, $0x1;
	s7 =	sadd.s32 s21, s5  }
0x9f: {  	[timem:s9], [sflag:s22] =	dma.local [hbm:s7], s20  }
0xa0: {  	_ =	swait.ge [sflag:s22], s20  }
0xa1: {  	s6 =	ssub.s32 $0x0, s20;
	[sflag:s22] =	ssyncset.done $0x0  }
0xa2: {  	[sflag:s22] =	ssyncadd.s32 s6;
	_ =	sdelay $0x1  }
0xa3: {  	s23 =	simm.s32 $0x1B8B  }
0xa4: {  	_ =	swait.ge [sflag:s23], $0x1  }
0xa5: {  	[sflag:s23] =	ssyncset.done $0x0  }
0xa6: {  	s25 =	simm.s32 $0x1B8E;
	s24 =	sld [smem:$0x3FFE];
	[sflag:s23] =	ssyncadd.s32 $0xFFFFFFFF  }
0xa7: {  	s26 =	simm.s32 $execute0_lowered;
	[smem:$0x3FD2] =	sst s25  }
0xa8: {  	s7 =	sshll.u32 s26, $0x1;
	_ =	strace $0x80000046;
	[dreg:$0x1] =	wrdreg $0xFFFFFFFF  }
0xa9: {  	s28 =	simm.s32 $_size_execute0_lowered;
	s5 =	sadd.s32 s5, s7;
	[dreg:$0x0] =	wrdreg $0x0  }
0xaa: {  	s7 =	sshll.u32 s28, $0x1;
	[dreg:$0x2] =	wrdreg s5  }
0xab: {  	[dreg:$0x3] =	wrdreg s7  }
0xac: {  	[dreg:$0x4] =	wrdreg $0xC0  }
0xad: {  	_ =	task [dreg:s9], $0x5FFFF  }
0xae: {  	[dreg:$0x1] =	wrdreg $0xFFFFFFFF  }
0xaf: {  	[dreg:$0x0] =	wrdreg $0x60  }
0xb0: {  	[dreg:$0x2] =	wrdreg s24  }
0xb1: {  	[dreg:$0x3] =	wrdreg s2  }
0xb2: {  	[dreg:$0x4] =	wrdreg s18  }
0xb3: {  	[dreg:$0x5] =	wrdreg s4  }
0xb4: {  	[dreg:$0x6] =	wrdreg $0x14A000  }
0xb5: {  	[dreg:$0x7] =	wrdreg $0x9  }
0xb6: {  	_ =	task.clear_ibuf [dreg:s9], $0x8FFFF;
	_ =	strace $0x90000046  }
0xb7: {  	s29 =	simm.s32 $0x9;
	_ =	strace $0x80000048  }
0xb8: {  	_ =	swait.ge [sflag:s29], $0x1  }
0xb9: {  	[sflag:s29] =	ssyncadd.s32 $0xFFFFFFFF  }
0xba: {  	_ =	strace $0x90000048  }
0xbb: {  	_ =	sfence  }
0xbc: {  	s30 =	sld [smem:$0x0];
	_ =	sdelay $0x2  }
0xbd: {  	s31 =	sshll.u32 s1, $0xD;
	s1 =	sshrl.u32 s1, $0x2  }
0xbe: {  	s3 =	sand.u32 $0x4000, s31;
	s1 =	sadd.s32 s1, s30  }
0xbf: {  	s0 =	sor.u32 s3, s0;
	s1 =	sshll.u32 s1, $0x11  }
0xc0: {  	s0 =	sor.u32 s1, s0  }
0xc1: {  	s0 =	sadd.s32 $0x8F2B, s0  }
0xc2: {  	[sflag:s0] =	ssyncadd.remote.s32 $0x1  }
0xc3: {  	_ =	sfence.sel $0xFFFF  }
0xc4: {  	[dreg:$0x0] =	wrdreg $0xFFFFFFFF;
	(pc) =	sbr.abs _section_cstart, $3  }
0xc5: {  	[dreg:$0x1] =	wrdreg $0xFFFFFFFF  }
0xc6: {  	_ =	task.clear_ibuf [dreg:s9], $0x2FFFF;
	_ =	strace $0x9FFFFFFF  }
0xc7: {  	(tm) =	ssettm $0x7FFFFFFF  }
tec
execute0_lowered:
.L_overlay_start_1:
0x0: {  	(tag) =	ssettag $0x1  }
0x1: {  	s0 =	rddreg [dreg:$0x0]  }
0x2: {  	s3 =	rddreg [dreg:$0x1]  }
0x3: {  	s5 =	rddreg [dreg:$0x2]  }
0x4: {  	s6 =	rddreg [dreg:$0x3]  }
0x5: {  	s1 =	rddreg [dreg:$0x4]  }
0x6: {  	s2 =	simm.s32 $0x0;
	s4 =	srdreg.scid;
	s11 =	stileid.u32  }
0x7: {  	s29 =	simm.s32 $0xE;
	s12 =	simm.s32 $0x80;
	[smem:$0x7FF] =	sst s2  }
0x8: {  	s4 =	sand.u32 $0x1, s4;
	s24 =	sshll.u32 s11, $0xD;
	s10 =	sshll.u32 s11, $0x6  }
0x9: {  	_ =	strace $0x80000047;
	s7 =	ssub.s32 $0x2, s4;
	s8 =	sshll.u32 s4, $0x4  }
0xa: {  	s4 =	sadd.s32 $0x187000, s0;
	s0 =	sadd.s32 $0x600, s0;
	s26 =	sor.u32 $0x1C0E, s10  }
0xb: {  	s8 =	sor.u32 s11, s8;
	[dreg:$0x8] =	wrdreg s0;
	s11 =	smul.u32 $0xC80, s11  }
0xc: {  	s31 =	simm.s32 $0x1;
	s9 =	sshrl.u32 s7, $0x1;
	[dreg:$0x9] =	wrdreg s26  }
0xd: {  	s22 =	ssub.s32 s7, s9;
	s28 =	sshll.u32 s8, $0xA;
	s25 =	sadd.s32 s5, s11  }
0xe: {  	s23 =	smul.u32 $0xC80, s8;
	s30 =	sadd.s32 s6, s28;
	[dreg:$0x7] =	wrdreg s25  }
0xf: {  	s9 =	sadd.s32 s24, s1;
	s0 =	smax.u32 s22, $0x1;
	[dreg:$0xa] =	wrdreg s30  }
0x10: {  	s24 =	simm.s32 $0xC;
	s5 =	sshrl.u32 s9, $0x3;
	[dreg:$0xb] =	wrdreg s0  }
0x11: {  	s6 =	simm.s32 $0x0;
	s3 =	sadd.s32 s3, s23;
	[dreg:$0xc] =	wrdreg s5  }
0x12: {  	s0 =	simm.s32 $0x2;
	s25 =	simm.s32 $0xD;
	[dreg:$0x6] =	wrdreg s3  }
.LBB2_1:
0x13: {  	[dreg:$0xd] =	wrdreg s6  }
0x14: {  	s3 =	rddreg [dreg:$0x8]  }
0x15: {  	[spmem:s5], [sflag:s26] =	dma.local [hbm:s3], $0x400  }
0x16: {  	_ =	swait.ge [sflag:s29], $0x400  }
0x17: {  	s18 =	rddreg [dreg:$0x6]  }
0x18: {  	s28 =	rddreg [dreg:$0x7];
	[sflag:s29] =	ssyncset.done $0x0;
	s26 =	sadd.s32 $0x90, s18  }
0x19: {  	[sflag:s29] =	ssyncadd.s32 $0xFFFFFC00;
	s28 =	sadd.s32 $0x90, s28;
	s19 =	sadd.s32 $0xFFFFFF70, s26  }
0x1a: {  	[tilespmem:s2], [sflag:$0x1] =	stream.linear.gather [hbm4b:s19+s2], $0x80, $0x38;
	[tilespmem:$0x16A00] =	vst v63  }
0x1b: {  	s3 =	simm.s32 $0x500;
	s20 =	sadd.s32 $0xFFFFFF70, s28  }
0x1c: {  	[tilespmem:s3], [sflag:$0x2] =	stream.linear.gather [hbm4b:s20+s2], $0x80, $0x38;
	[tilespmem:$0x16A00] =	vst v63  }
0x1d: {  	s21 =	sadd.s32 $0xFFFFFF80, s26  }
0x1e: {  	[tilespmem:s12], [sflag:$0x1] =	stream.linear.gather [hbm4b:s21+s2], $0x80, $0x38;
	[tilespmem:$0x16A00] =	vst v63  }
0x1f: {  	s5 =	simm.s32 $0x580;
	s22 =	sadd.s32 $0xFFFFFF80, s28  }
0x20: {  	[tilespmem:s5], [sflag:$0x2] =	stream.linear.gather [hbm4b:s22+s2], $0x80, $0x38;
	[tilespmem:$0x16A00] =	vst v63  }
0x21: {  	s30 =	simm.s32 $0x100;
	s23 =	sadd.s32 $0xFFFFFF90, s26  }
0x22: {  	[tilespmem:s30], [sflag:$0x1] =	stream.linear.gather [hbm4b:s23+s2], $0x80, $0x38;
	[tilespmem:$0x16A00] =	vst v63  }
0x23: {  	s7 =	simm.s32 $0x600;
	s10 =	sadd.s32 $0xFFFFFF90, s28  }
0x24: {  	[tilespmem:s7], [sflag:$0x2] =	stream.linear.gather [hbm4b:s10+s2], $0x80, $0x38;
	[tilespmem:$0x16A00] =	vst v63  }
0x25: {  	s8 =	simm.s32 $0x180;
	s11 =	sadd.s32 $0xFFFFFFA0, s26  }
0x26: {  	[tilespmem:s8], [sflag:$0x1] =	stream.linear.gather [hbm4b:s11+s2], $0x80, $0x38;
	[tilespmem:$0x16A00] =	vst v63  }
0x27: {  	s9 =	simm.s32 $0x680;
	s13 =	sadd.s32 $0xFFFFFFA0, s28  }
0x28: {  	[tilespmem:s9], [sflag:$0x2] =	stream.linear.gather [hbm4b:s13+s2], $0x80, $0x38;
	[tilespmem:$0x16A00] =	vst v63  }
0x29: {  	s14 =	sadd.s32 $0xFFFFFFB0, s26;
	s10 =	simm.s32 $0x200  }
0x2a: {  	[tilespmem:s10], [sflag:$0x1] =	stream.linear.gather [hbm4b:s14+s2], $0x80, $0x38;
	[tilespmem:$0x16A00] =	vst v63  }
0x2b: {  	s15 =	sadd.s32 $0xFFFFFFB0, s28;
	s11 =	simm.s32 $0x700  }
0x2c: {  	[tilespmem:s11], [sflag:$0x2] =	stream.linear.gather [hbm4b:s15+s2], $0x80, $0x38;
	[tilespmem:$0x16A00] =	vst v63  }
0x2d: {  	s16 =	sadd.s32 $0xFFFFFFC0, s26;
	s13 =	simm.s32 $0x280  }
0x2e: {  	[tilespmem:s13], [sflag:$0x1] =	stream.linear.gather [hbm4b:s16+s2], $0x80, $0x38;
	[tilespmem:$0x16A00] =	vst v63  }
0x2f: {  	s17 =	sadd.s32 $0xFFFFFFC0, s28;
	s14 =	simm.s32 $0x780  }
0x30: {  	[tilespmem:s14], [sflag:$0x2] =	stream.linear.gather [hbm4b:s17+s2], $0x80, $0x38;
	[tilespmem:$0x16A00] =	vst v63  }
0x31: {  	s18 =	sadd.s32 $0xFFFFFFD0, s26;
	s15 =	simm.s32 $0x300  }
0x32: {  	[tilespmem:s15], [sflag:$0x1] =	stream.linear.gather [hbm4b:s18+s2], $0x80, $0x38;
	[tilespmem:$0x16A00] =	vst v63  }
0x33: {  	s19 =	sadd.s32 $0xFFFFFFD0, s28;
	s16 =	simm.s32 $0x800  }
0x34: {  	[tilespmem:s16], [sflag:$0x2] =	stream.linear.gather [hbm4b:s19+s2], $0x80, $0x38;
	[tilespmem:$0x16A00] =	vst v63  }
0x35: {  	s20 =	sadd.s32 $0xFFFFFFE0, s26;
	s17 =	simm.s32 $0x380  }
0x36: {  	[tilespmem:s17], [sflag:$0x1] =	stream.linear.gather [hbm4b:s20+s2], $0x80, $0x38;
	[tilespmem:$0x16A00] =	vst v63  }
0x37: {  	s21 =	sadd.s32 $0xFFFFFFE0, s28;
	s18 =	simm.s32 $0x880  }
0x38: {  	[tilespmem:s18], [sflag:$0x2] =	stream.linear.gather [hbm4b:s21+s2], $0x80, $0x38;
	[tilespmem:$0x16A00] =	vst v63  }
0x39: {  	s22 =	sadd.s32 $0xFFFFFFF0, s26;
	s19 =	simm.s32 $0x400  }
0x3a: {  	[tilespmem:s19], [sflag:$0x1] =	stream.linear.gather [hbm4b:s22+s2], $0x80, $0x38;
	[tilespmem:$0x16A00] =	vst v63  }
0x3b: {  	s23 =	sadd.s32 $0xFFFFFFF0, s28;
	s20 =	simm.s32 $0x900  }
0x3c: {  	[tilespmem:s20], [sflag:$0x2] =	stream.linear.gather [hbm4b:s23+s2], $0x80, $0x38;
	[tilespmem:$0x16A00] =	vst v63  }
0x3d: {  	s21 =	simm.s32 $0x480  }
0x3e: {  	[tilespmem:s21], [sflag:$0x1] =	stream.linear.gather [hbm4b:s26+s2], $0x80, $0x38;
	[tilespmem:$0x16A00] =	vst v63  }
0x3f: {  	s26 =	simm.s32 $0x980  }
0x40: {  	[tilespmem:s26], [sflag:$0x2] =	stream.linear.gather [hbm4b:s28+s2], $0x80, $0x38;
	[tilespmem:$0x16A00] =	vst v63  }
0x41: {  	_ =	swait.ge [sflag:s31], $0x80  }
0x42: {  	[sflag:s31] =	ssyncset.done $0x0  }
0x43: {  	[sflag:s31] =	ssyncadd.s32 $0xFFFFFF80  }
0x44: {  	_ =	swait.ge [sflag:s0], $0x80  }
0x45: {  	[sflag:s0] =	ssyncset.done $0x0  }
0x46: {  	[sflag:s0] =	ssyncadd.s32 $0xFFFFFF80  }
0x47: {  	_ =	swait.ge [sflag:s31], $0x80  }
0x48: {  	[sflag:s31] =	ssyncset.done $0x0  }
0x49: {  	[sflag:s31] =	ssyncadd.s32 $0xFFFFFF80  }
0x4a: {  	_ =	swait.ge [sflag:s0], $0x80  }
0x4b: {  	[sflag:s0] =	ssyncset.done $0x0  }
0x4c: {  	[sflag:s0] =	ssyncadd.s32 $0xFFFFFF80  }
0x4d: {  	_ =	swait.ge [sflag:s31], $0x80  }
0x4e: {  	[sflag:s31] =	ssyncset.done $0x0  }
0x4f: {  	[sflag:s31] =	ssyncadd.s32 $0xFFFFFF80  }
0x50: {  	_ =	swait.ge [sflag:s0], $0x80  }
0x51: {  	[sflag:s0] =	ssyncset.done $0x0  }
0x52: {  	[sflag:s0] =	ssyncadd.s32 $0xFFFFFF80  }
0x53: {  	_ =	swait.ge [sflag:s31], $0x80  }
0x54: {  	[sflag:s31] =	ssyncset.done $0x0  }
0x55: {  	[sflag:s31] =	ssyncadd.s32 $0xFFFFFF80  }
0x56: {  	_ =	swait.ge [sflag:s0], $0x80  }
0x57: {  	[sflag:s0] =	ssyncset.done $0x0  }
0x58: {  	[sflag:s0] =	ssyncadd.s32 $0xFFFFFF80  }
0x59: {  	_ =	swait.ge [sflag:s31], $0x80  }
0x5a: {  	[sflag:s31] =	ssyncset.done $0x0  }
0x5b: {  	[sflag:s31] =	ssyncadd.s32 $0xFFFFFF80  }
0x5c: {  	_ =	swait.ge [sflag:s0], $0x80  }
0x5d: {  	[sflag:s0] =	ssyncset.done $0x0  }
0x5e: {  	[sflag:s0] =	ssyncadd.s32 $0xFFFFFF80  }
0x5f: {  	_ =	swait.ge [sflag:s31], $0x80  }
0x60: {  	[sflag:s31] =	ssyncset.done $0x0  }
0x61: {  	[sflag:s31] =	ssyncadd.s32 $0xFFFFFF80  }
0x62: {  	_ =	swait.ge [sflag:s0], $0x80  }
0x63: {  	[sflag:s0] =	ssyncset.done $0x0  }
0x64: {  	[sflag:s0] =	ssyncadd.s32 $0xFFFFFF80  }
0x65: {  	_ =	swait.ge [sflag:s31], $0x80  }
0x66: {  	[sflag:s31] =	ssyncset.done $0x0  }
0x67: {  	[sflag:s31] =	ssyncadd.s32 $0xFFFFFF80  }
0x68: {  	_ =	swait.ge [sflag:s0], $0x80  }
0x69: {  	[sflag:s0] =	ssyncset.done $0x0  }
0x6a: {  	[sflag:s0] =	ssyncadd.s32 $0xFFFFFF80  }
0x6b: {  	_ =	swait.ge [sflag:s31], $0x80  }
0x6c: {  	[sflag:s31] =	ssyncset.done $0x0  }
0x6d: {  	[sflag:s31] =	ssyncadd.s32 $0xFFFFFF80  }
0x6e: {  	_ =	swait.ge [sflag:s0], $0x80  }
0x6f: {  	[sflag:s0] =	ssyncset.done $0x0  }
0x70: {  	[sflag:s0] =	ssyncadd.s32 $0xFFFFFF80  }
0x71: {  	_ =	swait.ge [sflag:s31], $0x80  }
0x72: {  	[sflag:s31] =	ssyncset.done $0x0  }
0x73: {  	[sflag:s31] =	ssyncadd.s32 $0xFFFFFF80  }
0x74: {  	_ =	swait.ge [sflag:s0], $0x80  }
0x75: {  	[sflag:s0] =	ssyncset.done $0x0  }
0x76: {  	[sflag:s0] =	ssyncadd.s32 $0xFFFFFF80  }
0x77: {  	_ =	swait.ge [sflag:s31], $0x80  }
0x78: {  	[sflag:s31] =	ssyncset.done $0x0  }
0x79: {  	[sflag:s31] =	ssyncadd.s32 $0xFFFFFF80  }
0x7a: {  	_ =	swait.ge [sflag:s0], $0x80  }
0x7b: {  	[sflag:s0] =	ssyncset.done $0x0  }
0x7c: {  	s28 =	simm.s32 $0xA00;
	[sflag:s0] =	ssyncadd.s32 $0xFFFFFF80  }
0x7d: {  	[tilespmem:s28], [sflag:$0x3] =	stream.indirect.gather [hbm4b:s4+s12], $0x40, s2, s12, $0xb8;
	[tilespmem:$0x16A00] =	vst v63  }
0x7e: {  	s22 =	simm.s32 $0x2A00  }
0x7f: {  	[tilespmem:s22], [sflag:$0x4] =	stream.indirect.gather [hbm4b:s4+s12], $0x40, s12, s12, $0xb8;
	[tilespmem:$0x16A00] =	vst v63  }
0x80: {  	s23 =	simm.s32 $0x4A00  }
0x81: {  	[tilespmem:s23], [sflag:$0x5] =	stream.indirect.gather [hbm4b:s4+s12], $0x40, s30, s12, $0xb8;
	[tilespmem:$0x16A00] =	vst v63  }
0x82: {  	s6 =	simm.s32 $0x6A00  }
0x83: {  	[tilespmem:s6], [sflag:$0x6] =	stream.indirect.gather [hbm4b:s4+s12], $0x40, s8, s12, $0xb8;
	[tilespmem:$0x16A00] =	vst v63  }
0x84: {  	s8 =	simm.s32 $0x8A00  }
0x85: {  	[tilespmem:s8], [sflag:$0x7] =	stream.indirect.gather [hbm4b:s4+s12], $0x40, s10, s12, $0xb8;
	[tilespmem:$0x16A00] =	vst v63  }
0x86: {  	s10 =	simm.s32 $0xAA00  }
0x87: {  	[tilespmem:s10], [sflag:$0x8] =	stream.indirect.gather [hbm4b:s4+s12], $0x40, s13, s12, $0xb8;
	[tilespmem:$0x16A00] =	vst v63  }
0x88: {  	s13 =	simm.s32 $0xCA00  }
0x89: {  	[tilespmem:s13], [sflag:$0x9] =	stream.indirect.gather [hbm4b:s4+s12], $0x40, s15, s12, $0xb8;
	[tilespmem:$0x16A00] =	vst v63  }
0x8a: {  	s15 =	simm.s32 $0xEA00  }
0x8b: {  	[tilespmem:s15], [sflag:$0xA] =	stream.indirect.gather [hbm4b:s4+s12], $0x40, s17, s12, $0xb8;
	[tilespmem:$0x16A00] =	vst v63  }
0x8c: {  	s17 =	simm.s32 $0x10A00  }
0x8d: {  	[tilespmem:s17], [sflag:$0xB] =	stream.indirect.gather [hbm4b:s4+s12], $0x40, s19, s12, $0xb8;
	[tilespmem:$0x16A00] =	vst v63  }
0x8e: {  	s30 =	simm.s32 $0x3;
	s19 =	simm.s32 $0x12A00  }
0x8f: {  	[tilespmem:s19], [sflag:$0xC] =	stream.indirect.gather [hbm4b:s4+s12], $0x40, s21, s12, $0xb8;
	[tilespmem:$0x16A00] =	vst v63  }
0x90: {  	_ =	swait.ge [sflag:s30], $0x2000  }
0x91: {  	[sflag:s30] =	ssyncset.done $0x0  }
0x92: {  	s29 =	simm.s32 $0x4;
	[sflag:s30] =	ssyncadd.s32 $0xFFFFE000  }
0x93: {  	_ =	swait.ge [sflag:s29], $0x2000  }
0x94: {  	[sflag:s29] =	ssyncset.done $0x0  }
0x95: {  	s30 =	simm.s32 $0x5;
	[sflag:s29] =	ssyncadd.s32 $0xFFFFE000  }
0x96: {  	_ =	swait.ge [sflag:s30], $0x2000  }
0x97: {  	[sflag:s30] =	ssyncset.done $0x0  }
0x98: {  	s29 =	simm.s32 $0x6;
	[sflag:s30] =	ssyncadd.s32 $0xFFFFE000  }
0x99: {  	_ =	swait.ge [sflag:s29], $0x2000  }
0x9a: {  	[sflag:s29] =	ssyncset.done $0x0  }
0x9b: {  	s30 =	simm.s32 $0x7;
	[sflag:s29] =	ssyncadd.s32 $0xFFFFE000  }
0x9c: {  	_ =	swait.ge [sflag:s30], $0x2000  }
0x9d: {  	[sflag:s30] =	ssyncset.done $0x0  }
0x9e: {  	s29 =	simm.s32 $0x8;
	[sflag:s30] =	ssyncadd.s32 $0xFFFFE000  }
0x9f: {  	_ =	swait.ge [sflag:s29], $0x2000  }
0xa0: {  	[sflag:s29] =	ssyncset.done $0x0  }
0xa1: {  	s30 =	simm.s32 $0x9;
	[sflag:s29] =	ssyncadd.s32 $0xFFFFE000  }
0xa2: {  	_ =	swait.ge [sflag:s30], $0x2000  }
0xa3: {  	[sflag:s30] =	ssyncset.done $0x0  }
0xa4: {  	s29 =	simm.s32 $0xA;
	[sflag:s30] =	ssyncadd.s32 $0xFFFFE000  }
0xa5: {  	_ =	swait.ge [sflag:s29], $0x2000  }
0xa6: {  	[sflag:s29] =	ssyncset.done $0x0  }
0xa7: {  	s30 =	simm.s32 $0xB;
	[sflag:s29] =	ssyncadd.s32 $0xFFFFE000  }
0xa8: {  	_ =	swait.ge [sflag:s30], $0x2000  }
0xa9: {  	[sflag:s30] =	ssyncset.done $0x0  }
0xaa: {  	[sflag:s30] =	ssyncadd.s32 $0xFFFFE000  }
0xab: {  	_ =	swait.ge [sflag:s24], $0x2000  }
0xac: {  	[sflag:s24] =	ssyncset.done $0x0  }
0xad: {  	[sflag:s24] =	ssyncadd.s32 $0xFFFFE000  }
0xae: {  	[spmem:s1] =	stream.indirect.scatter.add.f32 [tilespmem:s28], [sflag:$0xD], $0x40, s3, s12, $0xb8;
	[tilespmem:$0x16A00] =	vst v63  }
0xaf: {  	_ =	swait.ge [sflag:s25], $0x2000  }
0xb0: {  	[sflag:s25] =	ssyncset.done $0x0  }
0xb1: {  	[sflag:s25] =	ssyncadd.s32 $0xFFFFE000  }
0xb2: {  	[spmem:s1] =	stream.indirect.scatter.add.f32 [tilespmem:s22], [sflag:$0xD], $0x40, s5, s12, $0xb8;
	[tilespmem:$0x16A00] =	vst v63  }
0xb3: {  	_ =	swait.ge [sflag:s25], $0x2000  }
0xb4: {  	[sflag:s25] =	ssyncset.done $0x0  }
0xb5: {  	[sflag:s25] =	ssyncadd.s32 $0xFFFFE000  }
0xb6: {  	[spmem:s1] =	stream.indirect.scatter.add.f32 [tilespmem:s23], [sflag:$0xD], $0x40, s7, s12, $0xb8;
	[tilespmem:$0x16A00] =	vst v63  }
0xb7: {  	_ =	swait.ge [sflag:s25], $0x2000  }
0xb8: {  	[sflag:s25] =	ssyncset.done $0x0  }
0xb9: {  	[sflag:s25] =	ssyncadd.s32 $0xFFFFE000  }
0xba: {  	[spmem:s1] =	stream.indirect.scatter.add.f32 [tilespmem:s6], [sflag:$0xD], $0x40, s9, s12, $0xb8;
	[tilespmem:$0x16A00] =	vst v63  }
0xbb: {  	_ =	swait.ge [sflag:s25], $0x2000  }
0xbc: {  	[sflag:s25] =	ssyncset.done $0x0  }
0xbd: {  	[sflag:s25] =	ssyncadd.s32 $0xFFFFE000  }
0xbe: {  	[spmem:s1] =	stream.indirect.scatter.add.f32 [tilespmem:s8], [sflag:$0xD], $0x40, s11, s12, $0xb8;
	[tilespmem:$0x16A00] =	vst v63  }
0xbf: {  	_ =	swait.ge [sflag:s25], $0x2000  }
0xc0: {  	[sflag:s25] =	ssyncset.done $0x0  }
0xc1: {  	[sflag:s25] =	ssyncadd.s32 $0xFFFFE000  }
0xc2: {  	[spmem:s1] =	stream.indirect.scatter.add.f32 [tilespmem:s10], [sflag:$0xD], $0x40, s14, s12, $0xb8;
	[tilespmem:$0x16A00] =	vst v63  }
0xc3: {  	_ =	swait.ge [sflag:s25], $0x2000  }
0xc4: {  	[sflag:s25] =	ssyncset.done $0x0  }
0xc5: {  	[sflag:s25] =	ssyncadd.s32 $0xFFFFE000  }
0xc6: {  	[spmem:s1] =	stream.indirect.scatter.add.f32 [tilespmem:s13], [sflag:$0xD], $0x40, s16, s12, $0xb8;
	[tilespmem:$0x16A00] =	vst v63  }
0xc7: {  	_ =	swait.ge [sflag:s25], $0x2000  }
0xc8: {  	[sflag:s25] =	ssyncset.done $0x0  }
0xc9: {  	[sflag:s25] =	ssyncadd.s32 $0xFFFFE000  }
0xca: {  	[spmem:s1] =	stream.indirect.scatter.add.f32 [tilespmem:s15], [sflag:$0xD], $0x40, s18, s12, $0xb8;
	[tilespmem:$0x16A00] =	vst v63  }
0xcb: {  	_ =	swait.ge [sflag:s25], $0x2000  }
0xcc: {  	[sflag:s25] =	ssyncset.done $0x0  }
0xcd: {  	[sflag:s25] =	ssyncadd.s32 $0xFFFFE000  }
0xce: {  	[spmem:s1] =	stream.indirect.scatter.add.f32 [tilespmem:s17], [sflag:$0xD], $0x40, s20, s12, $0xb8;
	[tilespmem:$0x16A00] =	vst v63  }
0xcf: {  	_ =	swait.ge [sflag:s25], $0x2000  }
0xd0: {  	[sflag:s25] =	ssyncset.done $0x0  }
0xd1: {  	[sflag:s25] =	ssyncadd.s32 $0xFFFFE000  }
0xd2: {  	[spmem:s1] =	stream.indirect.scatter.add.f32 [tilespmem:s19], [sflag:$0xD], $0x40, s26, s12, $0xb8;
	[tilespmem:$0x16A00] =	vst v63  }
0xd3: {  	s28 =	simm.s32 $0x1D0;
	s26 =	simm.s32 $0x130;
	_ =	swait.ge [sflag:s25], $0x2000  }
.LBB2_2:
0xd4: {  	s29 =	rddreg [dreg:$0x6]  }
0xd5: {  	[sflag:s25] =	ssyncset.done $0x0;
	s30 =	rddreg [dreg:$0x7];
	s29 =	sadd.s32 s26, s29  }
0xd6: {  	[sflag:s25] =	ssyncadd.s32 $0xFFFFE000;
	s30 =	sadd.s32 s26, s30;
	s5 =	sadd.s32 $0xFFFFFF70, s29  }
0xd7: {  	[tilespmem:s2], [sflag:$0x1] =	stream.linear.gather [hbm4b:s5+s2], $0x80, $0x38;
	[tilespmem:$0x16A00] =	vst v63  }
0xd8: {  	s7 =	simm.s32 $0x500;
	s22 =	sadd.s32 $0xFFFFFF70, s30  }
0xd9: {  	[tilespmem:s7], [sflag:$0x2] =	stream.linear.gather [hbm4b:s22+s2], $0x80, $0x38;
	[tilespmem:$0x16A00] =	vst v63  }
0xda: {  	s23 =	sadd.s32 $0xFFFFFF80, s29  }
0xdb: {  	[tilespmem:s12], [sflag:$0x1] =	stream.linear.gather [hbm4b:s23+s2], $0x80, $0x38;
	[tilespmem:$0x16A00] =	vst v63  }
0xdc: {  	s8 =	simm.s32 $0x580;
	s6 =	sadd.s32 $0xFFFFFF80, s30  }
0xdd: {  	[tilespmem:s8], [sflag:$0x2] =	stream.linear.gather [hbm4b:s6+s2], $0x80, $0x38;
	[tilespmem:$0x16A00] =	vst v63  }
0xde: {  	s9 =	sadd.s32 $0xFFFFFF90, s29;
	s6 =	simm.s32 $0x100  }
0xdf: {  	[tilespmem:s6], [sflag:$0x1] =	stream.linear.gather [hbm4b:s9+s2], $0x80, $0x38;
	[tilespmem:$0x16A00] =	vst v63  }
0xe0: {  	s10 =	sadd.s32 $0xFFFFFF90, s30;
	s9 =	simm.s32 $0x600  }
0xe1: {  	[tilespmem:s9], [sflag:$0x2] =	stream.linear.gather [hbm4b:s10+s2], $0x80, $0x38;
	[tilespmem:$0x16A00] =	vst v63  }
0xe2: {  	s11 =	sadd.s32 $0xFFFFFFA0, s29;
	s10 =	simm.s32 $0x180  }
0xe3: {  	[tilespmem:s10], [sflag:$0x1] =	stream.linear.gather [hbm4b:s11+s2], $0x80, $0x38;
	[tilespmem:$0x16A00] =	vst v63  }
0xe4: {  	s13 =	sadd.s32 $0xFFFFFFA0, s30;
	s11 =	simm.s32 $0x680  }
0xe5: {  	[tilespmem:s11], [sflag:$0x2] =	stream.linear.gather [hbm4b:s13+s2], $0x80, $0x38;
	[tilespmem:$0x16A00] =	vst v63  }
0xe6: {  	s14 =	sadd.s32 $0xFFFFFFB0, s29;
	s13 =	simm.s32 $0x200  }
0xe7: {  	[tilespmem:s13], [sflag:$0x1] =	stream.linear.gather [hbm4b:s14+s2], $0x80, $0x38;
	[tilespmem:$0x16A00] =	vst v63  }
0xe8: {  	s15 =	sadd.s32 $0xFFFFFFB0, s30;
	s14 =	simm.s32 $0x700  }
0xe9: {  	[tilespmem:s14], [sflag:$0x2] =	stream.linear.gather [hbm4b:s15+s2], $0x80, $0x38;
	[tilespmem:$0x16A00] =	vst v63  }
0xea: {  	s16 =	sadd.s32 $0xFFFFFFC0, s29;
	s15 =	simm.s32 $0x280  }
0xeb: {  	[tilespmem:s15], [sflag:$0x1] =	stream.linear.gather [hbm4b:s16+s2], $0x80, $0x38;
	[tilespmem:$0x16A00] =	vst v63  }
0xec: {  	s17 =	sadd.s32 $0xFFFFFFC0, s30;
	s16 =	simm.s32 $0x780  }
0xed: {  	[tilespmem:s16], [sflag:$0x2] =	stream.linear.gather [hbm4b:s17+s2], $0x80, $0x38;
	[tilespmem:$0x16A00] =	vst v63  }
0xee: {  	s18 =	sadd.s32 $0xFFFFFFD0, s29;
	s17 =	simm.s32 $0x300  }
0xef: {  	[tilespmem:s17], [sflag:$0x1] =	stream.linear.gather [hbm4b:s18+s2], $0x80, $0x38;
	[tilespmem:$0x16A00] =	vst v63  }
0xf0: {  	s19 =	sadd.s32 $0xFFFFFFD0, s30;
	s18 =	simm.s32 $0x800  }
0xf1: {  	[tilespmem:s18], [sflag:$0x2] =	stream.linear.gather [hbm4b:s19+s2], $0x80, $0x38;
	[tilespmem:$0x16A00] =	vst v63  }
0xf2: {  	s20 =	sadd.s32 $0xFFFFFFE0, s29;
	s19 =	simm.s32 $0x380  }
0xf3: {  	[tilespmem:s19], [sflag:$0x1] =	stream.linear.gather [hbm4b:s20+s2], $0x80, $0x38;
	[tilespmem:$0x16A00] =	vst v63  }
0xf4: {  	s21 =	sadd.s32 $0xFFFFFFE0, s30;
	s20 =	simm.s32 $0x880  }
0xf5: {  	[tilespmem:s20], [sflag:$0x2] =	stream.linear.gather [hbm4b:s21+s2], $0x80, $0x38;
	[tilespmem:$0x16A00] =	vst v63  }
0xf6: {  	s22 =	sadd.s32 $0xFFFFFFF0, s29;
	s21 =	simm.s32 $0x400  }
0xf7: {  	[tilespmem:s21], [sflag:$0x1] =	stream.linear.gather [hbm4b:s22+s2], $0x80, $0x38;
	[tilespmem:$0x16A00] =	vst v63  }
0xf8: {  	s3 =	smov.u32 s28;
	s5 =	simm.s32 $0x900;
	s23 =	sadd.s32 $0xFFFFFFF0, s30  }
0xf9: {  	[tilespmem:s5], [sflag:$0x2] =	stream.linear.gather [hbm4b:s23+s2], $0x80, $0x38;
	[tilespmem:$0x16A00] =	vst v63  }
0xfa: {  	s26 =	smov.u32 s3;
	s3 =	simm.s32 $0x480  }
0xfb: {  	[tilespmem:s3], [sflag:$0x1] =	stream.linear.gather [hbm4b:s29+s2], $0x80, $0x38;
	[tilespmem:$0x16A00] =	vst v63  }
0xfc: {  	s29 =	simm.s32 $0x980  }
0xfd: {  	[tilespmem:s29], [sflag:$0x2] =	stream.linear.gather [hbm4b:s30+s2], $0x80, $0x38;
	[tilespmem:$0x16A00] =	vst v63  }
0xfe: {  	_ =	swait.ge [sflag:s31], $0x80  }
0xff: {  	[sflag:s31] =	ssyncset.done $0x0  }
0x100: {  	[sflag:s31] =	ssyncadd.s32 $0xFFFFFF80  }
0x101: {  	_ =	swait.ge [sflag:s0], $0x80  }
0x102: {  	[sflag:s0] =	ssyncset.done $0x0  }
0x103: {  	[sflag:s0] =	ssyncadd.s32 $0xFFFFFF80  }
0x104: {  	_ =	swait.ge [sflag:s31], $0x80  }
0x105: {  	[sflag:s31] =	ssyncset.done $0x0  }
0x106: {  	[sflag:s31] =	ssyncadd.s32 $0xFFFFFF80  }
0x107: {  	_ =	swait.ge [sflag:s0], $0x80  }
0x108: {  	[sflag:s0] =	ssyncset.done $0x0  }
0x109: {  	[sflag:s0] =	ssyncadd.s32 $0xFFFFFF80  }
0x10a: {  	_ =	swait.ge [sflag:s31], $0x80  }
0x10b: {  	[sflag:s31] =	ssyncset.done $0x0  }
0x10c: {  	[sflag:s31] =	ssyncadd.s32 $0xFFFFFF80  }
0x10d: {  	_ =	swait.ge [sflag:s0], $0x80  }
0x10e: {  	[sflag:s0] =	ssyncset.done $0x0  }
0x10f: {  	[sflag:s0] =	ssyncadd.s32 $0xFFFFFF80  }
0x110: {  	_ =	swait.ge [sflag:s31], $0x80  }
0x111: {  	[sflag:s31] =	ssyncset.done $0x0  }
0x112: {  	[sflag:s31] =	ssyncadd.s32 $0xFFFFFF80  }
0x113: {  	_ =	swait.ge [sflag:s0], $0x80  }
0x114: {  	[sflag:s0] =	ssyncset.done $0x0  }
0x115: {  	[sflag:s0] =	ssyncadd.s32 $0xFFFFFF80  }
0x116: {  	_ =	swait.ge [sflag:s31], $0x80  }
0x117: {  	[sflag:s31] =	ssyncset.done $0x0  }
0x118: {  	[sflag:s31] =	ssyncadd.s32 $0xFFFFFF80  }
0x119: {  	_ =	swait.ge [sflag:s0], $0x80  }
0x11a: {  	[sflag:s0] =	ssyncset.done $0x0  }
0x11b: {  	[sflag:s0] =	ssyncadd.s32 $0xFFFFFF80  }
0x11c: {  	_ =	swait.ge [sflag:s31], $0x80  }
0x11d: {  	[sflag:s31] =	ssyncset.done $0x0  }
0x11e: {  	[sflag:s31] =	ssyncadd.s32 $0xFFFFFF80  }
0x11f: {  	_ =	swait.ge [sflag:s0], $0x80  }
0x120: {  	[sflag:s0] =	ssyncset.done $0x0  }
0x121: {  	[sflag:s0] =	ssyncadd.s32 $0xFFFFFF80  }
0x122: {  	_ =	swait.ge [sflag:s31], $0x80  }
0x123: {  	[sflag:s31] =	ssyncset.done $0x0  }
0x124: {  	[sflag:s31] =	ssyncadd.s32 $0xFFFFFF80  }
0x125: {  	_ =	swait.ge [sflag:s0], $0x80  }
0x126: {  	[sflag:s0] =	ssyncset.done $0x0  }
0x127: {  	[sflag:s0] =	ssyncadd.s32 $0xFFFFFF80  }
0x128: {  	_ =	swait.ge [sflag:s31], $0x80  }
0x129: {  	[sflag:s31] =	ssyncset.done $0x0  }
0x12a: {  	[sflag:s31] =	ssyncadd.s32 $0xFFFFFF80  }
0x12b: {  	_ =	swait.ge [sflag:s0], $0x80  }
0x12c: {  	[sflag:s0] =	ssyncset.done $0x0  }
0x12d: {  	[sflag:s0] =	ssyncadd.s32 $0xFFFFFF80  }
0x12e: {  	_ =	swait.ge [sflag:s31], $0x80  }
0x12f: {  	[sflag:s31] =	ssyncset.done $0x0  }
0x130: {  	[sflag:s31] =	ssyncadd.s32 $0xFFFFFF80  }
0x131: {  	_ =	swait.ge [sflag:s0], $0x80  }
0x132: {  	[sflag:s0] =	ssyncset.done $0x0  }
0x133: {  	[sflag:s0] =	ssyncadd.s32 $0xFFFFFF80  }
0x134: {  	_ =	swait.ge [sflag:s31], $0x80  }
0x135: {  	[sflag:s31] =	ssyncset.done $0x0  }
0x136: {  	[sflag:s31] =	ssyncadd.s32 $0xFFFFFF80  }
0x137: {  	_ =	swait.ge [sflag:s0], $0x80  }
0x138: {  	[sflag:s0] =	ssyncset.done $0x0  }
0x139: {  	s30 =	simm.s32 $0xA00;
	[sflag:s0] =	ssyncadd.s32 $0xFFFFFF80  }
0x13a: {  	[tilespmem:s30], [sflag:$0x3] =	stream.indirect.gather [hbm4b:s4+s12], $0x40, s2, s12, $0xb8;
	[tilespmem:$0x16A00] =	vst v63  }
0x13b: {  	s22 =	simm.s32 $0x2A00  }
0x13c: {  	[tilespmem:s22], [sflag:$0x4] =	stream.indirect.gather [hbm4b:s4+s12], $0x40, s12, s12, $0xb8;
	[tilespmem:$0x16A00] =	vst v63  }
0x13d: {  	s23 =	simm.s32 $0x4A00  }
0x13e: {  	[tilespmem:s23], [sflag:$0x5] =	stream.indirect.gather [hbm4b:s4+s12], $0x40, s6, s12, $0xb8;
	[tilespmem:$0x16A00] =	vst v63  }
0x13f: {  	s6 =	simm.s32 $0x6A00  }
0x140: {  	[tilespmem:s6], [sflag:$0x6] =	stream.indirect.gather [hbm4b:s4+s12], $0x40, s10, s12, $0xb8;
	[tilespmem:$0x16A00] =	vst v63  }
0x141: {  	s10 =	simm.s32 $0x8A00  }
0x142: {  	[tilespmem:s10], [sflag:$0x7] =	stream.indirect.gather [hbm4b:s4+s12], $0x40, s13, s12, $0xb8;
	[tilespmem:$0x16A00] =	vst v63  }
0x143: {  	s13 =	simm.s32 $0xAA00  }
0x144: {  	[tilespmem:s13], [sflag:$0x8] =	stream.indirect.gather [hbm4b:s4+s12], $0x40, s15, s12, $0xb8;
	[tilespmem:$0x16A00] =	vst v63  }
0x145: {  	s15 =	simm.s32 $0xCA00  }
0x146: {  	[tilespmem:s15], [sflag:$0x9] =	stream.indirect.gather [hbm4b:s4+s12], $0x40, s17, s12, $0xb8;
	[tilespmem:$0x16A00] =	vst v63  }
0x147: {  	s17 =	simm.s32 $0xEA00  }
0x148: {  	[tilespmem:s17], [sflag:$0xA] =	stream.indirect.gather [hbm4b:s4+s12], $0x40, s19, s12, $0xb8;
	[tilespmem:$0x16A00] =	vst v63  }
0x149: {  	s19 =	simm.s32 $0x10A00  }
0x14a: {  	[tilespmem:s19], [sflag:$0xB] =	stream.indirect.gather [hbm4b:s4+s12], $0x40, s21, s12, $0xb8;
	[tilespmem:$0x16A00] =	vst v63  }
0x14b: {  	s21 =	simm.s32 $0x12A00  }
0x14c: {  	[tilespmem:s21], [sflag:$0xC] =	stream.indirect.gather [hbm4b:s4+s12], $0x40, s3, s12, $0xb8;
	[tilespmem:$0x16A00] =	vst v63  }
0x14d: {  	s3 =	simm.s32 $0x3  }
0x14e: {  	_ =	swait.ge [sflag:s3], $0x2000  }
0x14f: {  	[sflag:s3] =	ssyncset.done $0x0  }
0x150: {  	[sflag:s3] =	ssyncadd.s32 $0xFFFFE000;
	s3 =	simm.s32 $0x4  }
0x151: {  	_ =	swait.ge [sflag:s3], $0x2000  }
0x152: {  	[sflag:s3] =	ssyncset.done $0x0  }
0x153: {  	[sflag:s3] =	ssyncadd.s32 $0xFFFFE000;
	s3 =	simm.s32 $0x5  }
0x154: {  	_ =	swait.ge [sflag:s3], $0x2000  }
0x155: {  	[sflag:s3] =	ssyncset.done $0x0  }
0x156: {  	[sflag:s3] =	ssyncadd.s32 $0xFFFFE000;
	s3 =	simm.s32 $0x6  }
0x157: {  	_ =	swait.ge [sflag:s3], $0x2000  }
0x158: {  	[sflag:s3] =	ssyncset.done $0x0  }
0x159: {  	[sflag:s3] =	ssyncadd.s32 $0xFFFFE000;
	s3 =	simm.s32 $0x7  }
0x15a: {  	_ =	swait.ge [sflag:s3], $0x2000  }
0x15b: {  	[sflag:s3] =	ssyncset.done $0x0  }
0x15c: {  	[sflag:s3] =	ssyncadd.s32 $0xFFFFE000;
	s3 =	simm.s32 $0x8  }
0x15d: {  	_ =	swait.ge [sflag:s3], $0x2000  }
0x15e: {  	[sflag:s3] =	ssyncset.done $0x0  }
0x15f: {  	[sflag:s3] =	ssyncadd.s32 $0xFFFFE000;
	s3 =	simm.s32 $0x9  }
0x160: {  	_ =	swait.ge [sflag:s3], $0x2000  }
0x161: {  	[sflag:s3] =	ssyncset.done $0x0  }
0x162: {  	[sflag:s3] =	ssyncadd.s32 $0xFFFFE000;
	s3 =	simm.s32 $0xA  }
0x163: {  	_ =	swait.ge [sflag:s3], $0x2000  }
0x164: {  	[sflag:s3] =	ssyncset.done $0x0  }
0x165: {  	[sflag:s3] =	ssyncadd.s32 $0xFFFFE000;
	s3 =	simm.s32 $0xB  }
0x166: {  	_ =	swait.ge [sflag:s3], $0x2000  }
0x167: {  	[sflag:s3] =	ssyncset.done $0x0  }
0x168: {  	[sflag:s3] =	ssyncadd.s32 $0xFFFFE000  }
0x169: {  	_ =	swait.ge [sflag:s24], $0x2000  }
0x16a: {  	[sflag:s24] =	ssyncset.done $0x0  }
0x16b: {  	[sflag:s24] =	ssyncadd.s32 $0xFFFFE000  }
0x16c: {  	[spmem:s1] =	stream.indirect.scatter.add.f32 [tilespmem:s30], [sflag:$0xD], $0x40, s7, s12, $0xb8;
	[tilespmem:$0x16A00] =	vst v63  }
0x16d: {  	_ =	swait.ge [sflag:s25], $0x2000  }
0x16e: {  	[sflag:s25] =	ssyncset.done $0x0  }
0x16f: {  	[sflag:s25] =	ssyncadd.s32 $0xFFFFE000  }
0x170: {  	[spmem:s1] =	stream.indirect.scatter.add.f32 [tilespmem:s22], [sflag:$0xD], $0x40, s8, s12, $0xb8;
	[tilespmem:$0x16A00] =	vst v63  }
0x171: {  	_ =	swait.ge [sflag:s25], $0x2000  }
0x172: {  	[sflag:s25] =	ssyncset.done $0x0  }
0x173: {  	[sflag:s25] =	ssyncadd.s32 $0xFFFFE000  }
0x174: {  	[spmem:s1] =	stream.indirect.scatter.add.f32 [tilespmem:s23], [sflag:$0xD], $0x40, s9, s12, $0xb8;
	[tilespmem:$0x16A00] =	vst v63  }
0x175: {  	_ =	swait.ge [sflag:s25], $0x2000  }
0x176: {  	[sflag:s25] =	ssyncset.done $0x0  }
0x177: {  	[sflag:s25] =	ssyncadd.s32 $0xFFFFE000  }
0x178: {  	[spmem:s1] =	stream.indirect.scatter.add.f32 [tilespmem:s6], [sflag:$0xD], $0x40, s11, s12, $0xb8;
	[tilespmem:$0x16A00] =	vst v63  }
0x179: {  	_ =	swait.ge [sflag:s25], $0x2000  }
0x17a: {  	[sflag:s25] =	ssyncset.done $0x0  }
0x17b: {  	[sflag:s25] =	ssyncadd.s32 $0xFFFFE000  }
0x17c: {  	[spmem:s1] =	stream.indirect.scatter.add.f32 [tilespmem:s10], [sflag:$0xD], $0x40, s14, s12, $0xb8;
	[tilespmem:$0x16A00] =	vst v63  }
0x17d: {  	_ =	swait.ge [sflag:s25], $0x2000  }
0x17e: {  	[sflag:s25] =	ssyncset.done $0x0  }
0x17f: {  	[sflag:s25] =	ssyncadd.s32 $0xFFFFE000  }
0x180: {  	[spmem:s1] =	stream.indirect.scatter.add.f32 [tilespmem:s13], [sflag:$0xD], $0x40, s16, s12, $0xb8;
	[tilespmem:$0x16A00] =	vst v63  }
0x181: {  	_ =	swait.ge [sflag:s25], $0x2000  }
0x182: {  	[sflag:s25] =	ssyncset.done $0x0  }
0x183: {  	[sflag:s25] =	ssyncadd.s32 $0xFFFFE000  }
0x184: {  	[spmem:s1] =	stream.indirect.scatter.add.f32 [tilespmem:s15], [sflag:$0xD], $0x40, s18, s12, $0xb8;
	[tilespmem:$0x16A00] =	vst v63  }
0x185: {  	_ =	swait.ge [sflag:s25], $0x2000  }
0x186: {  	[sflag:s25] =	ssyncset.done $0x0  }
0x187: {  	[sflag:s25] =	ssyncadd.s32 $0xFFFFE000  }
0x188: {  	[spmem:s1] =	stream.indirect.scatter.add.f32 [tilespmem:s17], [sflag:$0xD], $0x40, s20, s12, $0xb8;
	[tilespmem:$0x16A00] =	vst v63  }
0x189: {  	_ =	swait.ge [sflag:s25], $0x2000  }
0x18a: {  	[sflag:s25] =	ssyncset.done $0x0  }
0x18b: {  	p0 =	sne.s32 s28, $0xC70;
	[sflag:s25] =	ssyncadd.s32 $0xFFFFE000  }
0x18c: {  	[spmem:s1] =	stream.indirect.scatter.add.f32 [tilespmem:s19], [sflag:$0xD], $0x40, s5, s12, $0xb8;
	[tilespmem:$0x16A00] =	vst v63  }
.Ltmp0:
0x18d: {  	_ =	swait.ge [sflag:s25], $0x2000;
	(pc) =	sbr.rel @p0 .LBB2_2-.Ltmp0, $4  }
0x18e: {  	[sflag:s25] =	ssyncset.done $0x0  }
0x18f: {  	[sflag:s25] =	ssyncadd.s32 $0xFFFFE000  }
0x190: {  	[spmem:s1] =	stream.indirect.scatter.add.f32 [tilespmem:s21], [sflag:$0xD], $0x40, s29, s12, $0xb8;
	[tilespmem:$0x16A00] =	vst v63  }
0x191: {  	s28 =	sadd.s32 $0xA0, s28;
	_ =	swait.ge [sflag:s25], $0x2000  }
0x192: {  	s3 =	rddreg [dreg:$0x6]  }
0x193: {  	s5 =	rddreg [dreg:$0x7];
	[sflag:s25] =	ssyncset.done $0x0;
	s3 =	sadd.s32 s26, s3  }
0x194: {  	[sflag:s25] =	ssyncadd.s32 $0xFFFFE000;
	s5 =	sadd.s32 s26, s5;
	s23 =	sadd.s32 $0xFFFFFF70, s3  }
0x195: {  	[tilespmem:s2], [sflag:$0x1] =	stream.linear.gather [hbm4b:s23+s2], $0x80, $0x38;
	[tilespmem:$0x16A00] =	vst v63  }
0x196: {  	s7 =	simm.s32 $0x500;
	s28 =	sadd.s32 $0xFFFFFF70, s5  }
0x197: {  	[tilespmem:s7], [sflag:$0x2] =	stream.linear.gather [hbm4b:s28+s2], $0x80, $0x38;
	[tilespmem:$0x16A00] =	vst v63  }
0x198: {  	s30 =	sadd.s32 $0xFFFFFF80, s3  }
0x199: {  	[tilespmem:s12], [sflag:$0x1] =	stream.linear.gather [hbm4b:s30+s2], $0x80, $0x38;
	[tilespmem:$0x16A00] =	vst v63  }
0x19a: {  	s8 =	simm.s32 $0x580;
	s6 =	sadd.s32 $0xFFFFFF80, s5  }
0x19b: {  	[tilespmem:s8], [sflag:$0x2] =	stream.linear.gather [hbm4b:s6+s2], $0x80, $0x38;
	[tilespmem:$0x16A00] =	vst v63  }
0x19c: {  	s9 =	sadd.s32 $0xFFFFFF90, s3;
	s6 =	simm.s32 $0x100  }
0x19d: {  	[tilespmem:s6], [sflag:$0x1] =	stream.linear.gather [hbm4b:s9+s2], $0x80, $0x38;
	[tilespmem:$0x16A00] =	vst v63  }
0x19e: {  	s10 =	sadd.s32 $0xFFFFFF90, s5;
	s9 =	simm.s32 $0x600  }
0x19f: {  	[tilespmem:s9], [sflag:$0x2] =	stream.linear.gather [hbm4b:s10+s2], $0x80, $0x38;
	[tilespmem:$0x16A00] =	vst v63  }
0x1a0: {  	s11 =	sadd.s32 $0xFFFFFFA0, s3;
	s10 =	simm.s32 $0x180  }
0x1a1: {  	[tilespmem:s10], [sflag:$0x1] =	stream.linear.gather [hbm4b:s11+s2], $0x80, $0x38;
	[tilespmem:$0x16A00] =	vst v63  }
0x1a2: {  	s13 =	sadd.s32 $0xFFFFFFA0, s5;
	s11 =	simm.s32 $0x680  }
0x1a3: {  	[tilespmem:s11], [sflag:$0x2] =	stream.linear.gather [hbm4b:s13+s2], $0x80, $0x38;
	[tilespmem:$0x16A00] =	vst v63  }
0x1a4: {  	s14 =	sadd.s32 $0xFFFFFFB0, s3;
	s13 =	simm.s32 $0x200  }
0x1a5: {  	[tilespmem:s13], [sflag:$0x1] =	stream.linear.gather [hbm4b:s14+s2], $0x80, $0x38;
	[tilespmem:$0x16A00] =	vst v63  }
0x1a6: {  	s15 =	sadd.s32 $0xFFFFFFB0, s5;
	s14 =	simm.s32 $0x700  }
0x1a7: {  	[tilespmem:s14], [sflag:$0x2] =	stream.linear.gather [hbm4b:s15+s2], $0x80, $0x38;
	[tilespmem:$0x16A00] =	vst v63  }
0x1a8: {  	s16 =	sadd.s32 $0xFFFFFFC0, s3;
	s15 =	simm.s32 $0x280  }
0x1a9: {  	[tilespmem:s15], [sflag:$0x1] =	stream.linear.gather [hbm4b:s16+s2], $0x80, $0x38;
	[tilespmem:$0x16A00] =	vst v63  }
0x1aa: {  	s17 =	sadd.s32 $0xFFFFFFC0, s5;
	s16 =	simm.s32 $0x780  }
0x1ab: {  	[tilespmem:s16], [sflag:$0x2] =	stream.linear.gather [hbm4b:s17+s2], $0x80, $0x38;
	[tilespmem:$0x16A00] =	vst v63  }
0x1ac: {  	s18 =	sadd.s32 $0xFFFFFFD0, s3;
	s17 =	simm.s32 $0x300  }
0x1ad: {  	[tilespmem:s17], [sflag:$0x1] =	stream.linear.gather [hbm4b:s18+s2], $0x80, $0x38;
	[tilespmem:$0x16A00] =	vst v63  }
0x1ae: {  	s19 =	sadd.s32 $0xFFFFFFD0, s5;
	s18 =	simm.s32 $0x800  }
0x1af: {  	[tilespmem:s18], [sflag:$0x2] =	stream.linear.gather [hbm4b:s19+s2], $0x80, $0x38;
	[tilespmem:$0x16A00] =	vst v63  }
0x1b0: {  	s20 =	sadd.s32 $0xFFFFFFE0, s3;
	s19 =	simm.s32 $0x380  }
0x1b1: {  	[tilespmem:s19], [sflag:$0x1] =	stream.linear.gather [hbm4b:s20+s2], $0x80, $0x38;
	[tilespmem:$0x16A00] =	vst v63  }
0x1b2: {  	s21 =	sadd.s32 $0xFFFFFFE0, s5;
	s20 =	simm.s32 $0x880  }
0x1b3: {  	[tilespmem:s20], [sflag:$0x2] =	stream.linear.gather [hbm4b:s21+s2], $0x80, $0x38;
	[tilespmem:$0x16A00] =	vst v63  }
0x1b4: {  	s22 =	sadd.s32 $0xFFFFFFF0, s3;
	s21 =	simm.s32 $0x400  }
0x1b5: {  	[tilespmem:s21], [sflag:$0x1] =	stream.linear.gather [hbm4b:s22+s2], $0x80, $0x38;
	[tilespmem:$0x16A00] =	vst v63  }
0x1b6: {  	s23 =	sadd.s32 $0xFFFFFFF0, s5;
	s28 =	simm.s32 $0x900  }
0x1b7: {  	[tilespmem:s28], [sflag:$0x2] =	stream.linear.gather [hbm4b:s23+s2], $0x80, $0x38;
	[tilespmem:$0x16A00] =	vst v63  }
0x1b8: {  	s30 =	simm.s32 $0x480  }
0x1b9: {  	[tilespmem:s30], [sflag:$0x1] =	stream.linear.gather [hbm4b:s3+s2], $0x80, $0x38;
	[tilespmem:$0x16A00] =	vst v63  }
0x1ba: {  	s3 =	simm.s32 $0x980  }
0x1bb: {  	[tilespmem:s3], [sflag:$0x2] =	stream.linear.gather [hbm4b:s5+s2], $0x80, $0x38;
	[tilespmem:$0x16A00] =	vst v63  }
0x1bc: {  	_ =	swait.ge [sflag:s31], $0x80  }
0x1bd: {  	[sflag:s31] =	ssyncset.done $0x0  }
0x1be: {  	[sflag:s31] =	ssyncadd.s32 $0xFFFFFF80  }
0x1bf: {  	_ =	swait.ge [sflag:s0], $0x80  }
0x1c0: {  	[sflag:s0] =	ssyncset.done $0x0  }
0x1c1: {  	[sflag:s0] =	ssyncadd.s32 $0xFFFFFF80  }
0x1c2: {  	_ =	swait.ge [sflag:s31], $0x80  }
0x1c3: {  	[sflag:s31] =	ssyncset.done $0x0  }
0x1c4: {  	[sflag:s31] =	ssyncadd.s32 $0xFFFFFF80  }
0x1c5: {  	_ =	swait.ge [sflag:s0], $0x80  }
0x1c6: {  	[sflag:s0] =	ssyncset.done $0x0  }
0x1c7: {  	[sflag:s0] =	ssyncadd.s32 $0xFFFFFF80  }
0x1c8: {  	_ =	swait.ge [sflag:s31], $0x80  }
0x1c9: {  	[sflag:s31] =	ssyncset.done $0x0  }
0x1ca: {  	[sflag:s31] =	ssyncadd.s32 $0xFFFFFF80  }
0x1cb: {  	_ =	swait.ge [sflag:s0], $0x80  }
0x1cc: {  	[sflag:s0] =	ssyncset.done $0x0  }
0x1cd: {  	[sflag:s0] =	ssyncadd.s32 $0xFFFFFF80  }
0x1ce: {  	_ =	swait.ge [sflag:s31], $0x80  }
0x1cf: {  	[sflag:s31] =	ssyncset.done $0x0  }
0x1d0: {  	[sflag:s31] =	ssyncadd.s32 $0xFFFFFF80  }
0x1d1: {  	_ =	swait.ge [sflag:s0], $0x80  }
0x1d2: {  	[sflag:s0] =	ssyncset.done $0x0  }
0x1d3: {  	[sflag:s0] =	ssyncadd.s32 $0xFFFFFF80  }
0x1d4: {  	_ =	swait.ge [sflag:s31], $0x80  }
0x1d5: {  	[sflag:s31] =	ssyncset.done $0x0  }
0x1d6: {  	[sflag:s31] =	ssyncadd.s32 $0xFFFFFF80  }
0x1d7: {  	_ =	swait.ge [sflag:s0], $0x80  }
0x1d8: {  	[sflag:s0] =	ssyncset.done $0x0  }
0x1d9: {  	[sflag:s0] =	ssyncadd.s32 $0xFFFFFF80  }
0x1da: {  	_ =	swait.ge [sflag:s31], $0x80  }
0x1db: {  	[sflag:s31] =	ssyncset.done $0x0  }
0x1dc: {  	[sflag:s31] =	ssyncadd.s32 $0xFFFFFF80  }
0x1dd: {  	_ =	swait.ge [sflag:s0], $0x80  }
0x1de: {  	[sflag:s0] =	ssyncset.done $0x0  }
0x1df: {  	[sflag:s0] =	ssyncadd.s32 $0xFFFFFF80  }
0x1e0: {  	_ =	swait.ge [sflag:s31], $0x80  }
0x1e1: {  	[sflag:s31] =	ssyncset.done $0x0  }
0x1e2: {  	[sflag:s31] =	ssyncadd.s32 $0xFFFFFF80  }
0x1e3: {  	_ =	swait.ge [sflag:s0], $0x80  }
0x1e4: {  	[sflag:s0] =	ssyncset.done $0x0  }
0x1e5: {  	[sflag:s0] =	ssyncadd.s32 $0xFFFFFF80  }
0x1e6: {  	_ =	swait.ge [sflag:s31], $0x80  }
0x1e7: {  	[sflag:s31] =	ssyncset.done $0x0  }
0x1e8: {  	[sflag:s31] =	ssyncadd.s32 $0xFFFFFF80  }
0x1e9: {  	_ =	swait.ge [sflag:s0], $0x80  }
0x1ea: {  	[sflag:s0] =	ssyncset.done $0x0  }
0x1eb: {  	[sflag:s0] =	ssyncadd.s32 $0xFFFFFF80  }
0x1ec: {  	_ =	swait.ge [sflag:s31], $0x80  }
0x1ed: {  	[sflag:s31] =	ssyncset.done $0x0  }
0x1ee: {  	[sflag:s31] =	ssyncadd.s32 $0xFFFFFF80  }
0x1ef: {  	_ =	swait.ge [sflag:s0], $0x80  }
0x1f0: {  	[sflag:s0] =	ssyncset.done $0x0  }
0x1f1: {  	[sflag:s0] =	ssyncadd.s32 $0xFFFFFF80  }
0x1f2: {  	_ =	swait.ge [sflag:s31], $0x80  }
0x1f3: {  	[sflag:s31] =	ssyncset.done $0x0  }
0x1f4: {  	[sflag:s31] =	ssyncadd.s32 $0xFFFFFF80  }
0x1f5: {  	_ =	swait.ge [sflag:s0], $0x80  }
0x1f6: {  	[sflag:s0] =	ssyncset.done $0x0  }
0x1f7: {  	s5 =	simm.s32 $0xA00;
	[sflag:s0] =	ssyncadd.s32 $0xFFFFFF80  }
0x1f8: {  	[tilespmem:s5], [sflag:$0x3] =	stream.indirect.gather [hbm4b:s4+s12], $0x40, s2, s12, $0xb8;
	[tilespmem:$0x16A00] =	vst v63  }
0x1f9: {  	s22 =	simm.s32 $0x2A00  }
0x1fa: {  	[tilespmem:s22], [sflag:$0x4] =	stream.indirect.gather [hbm4b:s4+s12], $0x40, s12, s12, $0xb8;
	[tilespmem:$0x16A00] =	vst v63  }
0x1fb: {  	s23 =	simm.s32 $0x4A00  }
0x1fc: {  	[tilespmem:s23], [sflag:$0x5] =	stream.indirect.gather [hbm4b:s4+s12], $0x40, s6, s12, $0xb8;
	[tilespmem:$0x16A00] =	vst v63  }
0x1fd: {  	s6 =	simm.s32 $0x6A00  }
0x1fe: {  	[tilespmem:s6], [sflag:$0x6] =	stream.indirect.gather [hbm4b:s4+s12], $0x40, s10, s12, $0xb8;
	[tilespmem:$0x16A00] =	vst v63  }
0x1ff: {  	s10 =	simm.s32 $0x8A00  }
0x200: {  	[tilespmem:s10], [sflag:$0x7] =	stream.indirect.gather [hbm4b:s4+s12], $0x40, s13, s12, $0xb8;
	[tilespmem:$0x16A00] =	vst v63  }
0x201: {  	s13 =	simm.s32 $0xAA00  }
0x202: {  	[tilespmem:s13], [sflag:$0x8] =	stream.indirect.gather [hbm4b:s4+s12], $0x40, s15, s12, $0xb8;
	[tilespmem:$0x16A00] =	vst v63  }
0x203: {  	s15 =	simm.s32 $0xCA00  }
0x204: {  	[tilespmem:s15], [sflag:$0x9] =	stream.indirect.gather [hbm4b:s4+s12], $0x40, s17, s12, $0xb8;
	[tilespmem:$0x16A00] =	vst v63  }
0x205: {  	s17 =	simm.s32 $0xEA00  }
0x206: {  	[tilespmem:s17], [sflag:$0xA] =	stream.indirect.gather [hbm4b:s4+s12], $0x40, s19, s12, $0xb8;
	[tilespmem:$0x16A00] =	vst v63  }
0x207: {  	s19 =	simm.s32 $0x10A00  }
0x208: {  	[tilespmem:s19], [sflag:$0xB] =	stream.indirect.gather [hbm4b:s4+s12], $0x40, s21, s12, $0xb8;
	[tilespmem:$0x16A00] =	vst v63  }
0x209: {  	s21 =	simm.s32 $0x12A00  }
0x20a: {  	[tilespmem:s21], [sflag:$0xC] =	stream.indirect.gather [hbm4b:s4+s12], $0x40, s30, s12, $0xb8;
	[tilespmem:$0x16A00] =	vst v63  }
0x20b: {  	s30 =	simm.s32 $0x3  }
0x20c: {  	_ =	swait.ge [sflag:s30], $0x2000  }
0x20d: {  	[sflag:s30] =	ssyncset.done $0x0  }
0x20e: {  	[sflag:s30] =	ssyncadd.s32 $0xFFFFE000;
	s30 =	simm.s32 $0x4  }
0x20f: {  	_ =	swait.ge [sflag:s30], $0x2000  }
0x210: {  	[sflag:s30] =	ssyncset.done $0x0  }
0x211: {  	[sflag:s30] =	ssyncadd.s32 $0xFFFFE000;
	s30 =	simm.s32 $0x5  }
0x212: {  	_ =	swait.ge [sflag:s30], $0x2000  }
0x213: {  	[sflag:s30] =	ssyncset.done $0x0  }
0x214: {  	[sflag:s30] =	ssyncadd.s32 $0xFFFFE000;
	s30 =	simm.s32 $0x6  }
0x215: {  	_ =	swait.ge [sflag:s30], $0x2000  }
0x216: {  	[sflag:s30] =	ssyncset.done $0x0  }
0x217: {  	[sflag:s30] =	ssyncadd.s32 $0xFFFFE000;
	s30 =	simm.s32 $0x7  }
0x218: {  	_ =	swait.ge [sflag:s30], $0x2000  }
0x219: {  	[sflag:s30] =	ssyncset.done $0x0  }
0x21a: {  	[sflag:s30] =	ssyncadd.s32 $0xFFFFE000;
	s30 =	simm.s32 $0x8  }
0x21b: {  	_ =	swait.ge [sflag:s30], $0x2000  }
0x21c: {  	[sflag:s30] =	ssyncset.done $0x0  }
0x21d: {  	[sflag:s30] =	ssyncadd.s32 $0xFFFFE000;
	s30 =	simm.s32 $0x9  }
0x21e: {  	_ =	swait.ge [sflag:s30], $0x2000  }
0x21f: {  	[sflag:s30] =	ssyncset.done $0x0  }
0x220: {  	[sflag:s30] =	ssyncadd.s32 $0xFFFFE000;
	s30 =	simm.s32 $0xA  }
0x221: {  	_ =	swait.ge [sflag:s30], $0x2000  }
0x222: {  	[sflag:s30] =	ssyncset.done $0x0  }
0x223: {  	[sflag:s30] =	ssyncadd.s32 $0xFFFFE000;
	s30 =	simm.s32 $0xB  }
0x224: {  	_ =	swait.ge [sflag:s30], $0x2000  }
0x225: {  	[sflag:s30] =	ssyncset.done $0x0  }
0x226: {  	[sflag:s30] =	ssyncadd.s32 $0xFFFFE000  }
0x227: {  	_ =	swait.ge [sflag:s24], $0x2000  }
0x228: {  	[sflag:s24] =	ssyncset.done $0x0  }
0x229: {  	[sflag:s24] =	ssyncadd.s32 $0xFFFFE000  }
0x22a: {  	[spmem:s1] =	stream.indirect.scatter.add.f32 [tilespmem:s5], [sflag:$0xD], $0x40, s7, s12, $0xb8;
	[tilespmem:$0x16A00] =	vst v63  }
0x22b: {  	_ =	swait.ge [sflag:s25], $0x2000  }
0x22c: {  	[sflag:s25] =	ssyncset.done $0x0  }
0x22d: {  	[sflag:s25] =	ssyncadd.s32 $0xFFFFE000  }
0x22e: {  	[spmem:s1] =	stream.indirect.scatter.add.f32 [tilespmem:s22], [sflag:$0xD], $0x40, s8, s12, $0xb8;
	[tilespmem:$0x16A00] =	vst v63  }
0x22f: {  	_ =	swait.ge [sflag:s25], $0x2000  }
0x230: {  	[sflag:s25] =	ssyncset.done $0x0  }
0x231: {  	[sflag:s25] =	ssyncadd.s32 $0xFFFFE000  }
0x232: {  	[spmem:s1] =	stream.indirect.scatter.add.f32 [tilespmem:s23], [sflag:$0xD], $0x40, s9, s12, $0xb8;
	[tilespmem:$0x16A00] =	vst v63  }
0x233: {  	_ =	swait.ge [sflag:s25], $0x2000  }
0x234: {  	[sflag:s25] =	ssyncset.done $0x0  }
0x235: {  	[sflag:s25] =	ssyncadd.s32 $0xFFFFE000  }
0x236: {  	[spmem:s1] =	stream.indirect.scatter.add.f32 [tilespmem:s6], [sflag:$0xD], $0x40, s11, s12, $0xb8;
	[tilespmem:$0x16A00] =	vst v63  }
0x237: {  	_ =	swait.ge [sflag:s25], $0x2000  }
0x238: {  	[sflag:s25] =	ssyncset.done $0x0  }
0x239: {  	[sflag:s25] =	ssyncadd.s32 $0xFFFFE000  }
0x23a: {  	[spmem:s1] =	stream.indirect.scatter.add.f32 [tilespmem:s10], [sflag:$0xD], $0x40, s14, s12, $0xb8;
	[tilespmem:$0x16A00] =	vst v63  }
0x23b: {  	_ =	swait.ge [sflag:s25], $0x2000  }
0x23c: {  	[sflag:s25] =	ssyncset.done $0x0  }
0x23d: {  	[sflag:s25] =	ssyncadd.s32 $0xFFFFE000  }
0x23e: {  	[spmem:s1] =	stream.indirect.scatter.add.f32 [tilespmem:s13], [sflag:$0xD], $0x40, s16, s12, $0xb8;
	[tilespmem:$0x16A00] =	vst v63  }
0x23f: {  	_ =	swait.ge [sflag:s25], $0x2000  }
0x240: {  	[sflag:s25] =	ssyncset.done $0x0  }
0x241: {  	[sflag:s25] =	ssyncadd.s32 $0xFFFFE000  }
0x242: {  	[spmem:s1] =	stream.indirect.scatter.add.f32 [tilespmem:s15], [sflag:$0xD], $0x40, s18, s12, $0xb8;
	[tilespmem:$0x16A00] =	vst v63  }
0x243: {  	_ =	swait.ge [sflag:s25], $0x2000  }
0x244: {  	[sflag:s25] =	ssyncset.done $0x0  }
0x245: {  	[sflag:s25] =	ssyncadd.s32 $0xFFFFE000  }
0x246: {  	[spmem:s1] =	stream.indirect.scatter.add.f32 [tilespmem:s17], [sflag:$0xD], $0x40, s20, s12, $0xb8;
	[tilespmem:$0x16A00] =	vst v63  }
0x247: {  	_ =	swait.ge [sflag:s25], $0x2000  }
0x248: {  	[sflag:s25] =	ssyncset.done $0x0  }
0x249: {  	[sflag:s25] =	ssyncadd.s32 $0xFFFFE000  }
0x24a: {  	[spmem:s1] =	stream.indirect.scatter.add.f32 [tilespmem:s19], [sflag:$0xD], $0x40, s28, s12, $0xb8;
	[tilespmem:$0x16A00] =	vst v63  }
0x24b: {  	_ =	swait.ge [sflag:s25], $0x2000  }
0x24c: {  	[sflag:s25] =	ssyncset.done $0x0  }
0x24d: {  	[sflag:s25] =	ssyncadd.s32 $0xFFFFE000  }
0x24e: {  	[spmem:s1] =	stream.indirect.scatter.add.f32 [tilespmem:s21], [sflag:$0xD], $0x40, s3, s12, $0xb8;
	[tilespmem:$0x16A00] =	vst v63  }
0x24f: {  	_ =	swait.ge [sflag:s25], $0x2000  }
0x250: {  	s26 =	rddreg [dreg:$0x9]  }
0x251: {  	[sflag:s25] =	ssyncset.done $0x0;
	s23 =	rddreg [dreg:$0xa]  }
0x252: {  	s29 =	simm.s32 $0xE;
	s5 =	rddreg [dreg:$0xc];
	[sflag:s25] =	ssyncadd.s32 $0xFFFFE000  }
0x253: {  	[hbm:s23], [sflag:s26] =	dma.local [spmem:s5], $0x400  }
0x254: {  	_ =	swait.ge [sflag:s29], $0x400  }
0x255: {  	s28 =	rddreg [dreg:$0xd]  }
0x256: {  	s30 =	rddreg [dreg:$0xb];
	s6 =	sadd.s32 $0x1, s28  }
0x257: {  	p0 =	sne.s32 s6, s30  }
.Ltmp1:
0x258: {  	_ = 	snop;
	(pc) =	sbr.rel @p0 .LBB2_1-.Ltmp1, $3  }
0x259: {  	_ =	sdelay $0x1  }
0x25a: {  	[sflag:s29] =	ssyncset.done $0x0  }
0x25b: {  	[sflag:s29] =	ssyncadd.s32 $0xFFFFFC00  }
0x25c: {  	_ =	sfence.sel $0x180000  }
0x25d: {  	[bflag:$0x0] =	sbarrier.arrive $0xFFFF  }
0x25e: {  	_ =	strace $0x90000047  }
0x25f: {  	s0 =	stileid.u32;
	[bflag:$0x2] =	sbarrier.arrive $0xFFFF  }
0x260: {  	p0 =	sne.s32 s0, $0x0;
	s0 =	rddreg [dreg:$0x5]  }
0x261: {  	s0 =	sadd.s32 @!p0 $0x100000, s0  }
0x262: {  	[sflag:s0] =	ssyncadd.tile.s32 @!p0 $0x1;
	_ =	shalt  }
.Lfunc_end2:
_tile_overlayer_lowered:
.L_overlay_start_2:
0x263: {  	(tag) =	ssettag $0x2  }
0x264: {  	s0 =	rddreg [dreg:$0x0];
	s2 =	stileid.u32  }
0x265: {  	s1 =	rddreg [dreg:$0x1];
	p0 =	sne.s32 s2, $0x0  }
0x266: {  	s3 =	rddreg [dreg:$0x2];
	[bflag:$0x3] =	sbarrier.arrive $0xFFFF;
	s2 =	simm.s32 @!p0 $0x1C0E  }
0x267: {  	[timem:s3], [sflag:s2] =	dma.local @!p0 [hbm:s0], s1  }
0x268: {  	s0 =	simm.s32 @!p0 $0xE  }
0x269: {  	_ =	swait.ge @!p0 [sflag:s0], s1  }
0x26a: {  	s1 =	ssub.s32 @!p0 $0x0, s1;
	[sflag:s0] =	ssyncset.done @!p0 $0x0  }
0x26b: {  	[sflag:s0] =	ssyncadd.s32 @!p0 s1  }
0x26c: {  	[bflag:$0x3] =	sbarrier.arrive $0xFFFF  }
0x26d: {  	_ =	shalt  }

</sc_bundles>
